<compile_context>
chip_gen: v7x
topology: tpu7x:2x2x1
jax: 0.10.2.dev20260603
libtpu: 0.0.44.dev20260713+nightly
codegen_flags: <defaults>
</compile_context>

<pallas_src>
import functools

import jax
import jax.numpy as jnp
from jax import lax
from jax.experimental import pallas as pl
from jax.experimental.pallas import tpu as pltpu
from jax.experimental.pallas import tpu_sc as plsc

NUM_LABELS = 100000
D_MODEL = 64
DIM = 128


_ROW_BLK = 2000


def _mlp_body(tab_ref, w1_ref, b1_ref, w2_ref, b2_ref, out_ref):
    i = pl.program_id(0)
    x = tab_ref[...]
    row_ids = lax.broadcasted_iota(jnp.int32, (_ROW_BLK, 1), 0)
    x = jnp.where((row_ids == 0) & (i == 0), 0.0, x)
    h = jnp.dot(x, w1_ref[...], preferred_element_type=jnp.float32) + b1_ref[...]
    h = 0.5 * h * (1.0 + lax.erf(h * 0.7071067811865476))
    out_ref[...] = (
        jnp.dot(h, w2_ref[...], preferred_element_type=jnp.float32) + b2_ref[...]
    )


def _mlp_table(table, W1, b1, W2, b2):
    grid = (NUM_LABELS // _ROW_BLK,)
    return pl.pallas_call(
        _mlp_body,
        grid=grid,
        in_specs=[
            pl.BlockSpec((_ROW_BLK, D_MODEL), lambda i: (i, 0)),
            pl.BlockSpec((D_MODEL, DIM), lambda i: (0, 0)),
            pl.BlockSpec((1, DIM), lambda i: (0, 0)),
            pl.BlockSpec((DIM, DIM), lambda i: (0, 0)),
            pl.BlockSpec((1, DIM), lambda i: (0, 0)),
        ],
        out_specs=pl.BlockSpec((_ROW_BLK, DIM), lambda i: (i, 0)),
        out_shape=jax.ShapeDtypeStruct((NUM_LABELS, DIM), jnp.float32),
    )(table, W1, b1.reshape(1, DIM), W2, b2.reshape(1, DIM))



_NC = 2
_NS = 16
_NW = _NC * _NS
_B_SEQ = 16384
_L_SEQ = 50
_B_PER_W = _B_SEQ // _NW
_BC = 128
_NBC = _B_PER_W // _BC
_NBUF = 4


@functools.cache
def _make_gather():
    mesh = plsc.VectorSubcoreMesh(core_axis_name="c", subcore_axis_name="s")

    @functools.partial(
        pl.kernel,
        mesh=mesh,
        out_type=jax.ShapeDtypeStruct((_L_SEQ, _B_SEQ, DIM), jnp.float32),
        scratch_types=[
            pltpu.VMEM((_L_SEQ, _B_PER_W), jnp.int32),
            pltpu.VMEM((_NBUF, _BC, DIM), jnp.float32),
            pltpu.SemaphoreType.DMA((_NBUF,)),
            pltpu.SemaphoreType.DMA((_NBUF,)),
        ],
    )
    def gather_k(tab_hbm, idx_hbm, out_hbm, idx_all, rows, gsem, wsem):
        wid = lax.axis_index("s") * _NC + lax.axis_index("c")
        b0 = wid * _B_PER_W
        pltpu.sync_copy(idx_hbm.at[:, pl.ds(b0, _B_PER_W)], idx_all)

        def gcopy(b, l, c):
            src = tab_hbm.at[idx_all.at[l, pl.ds(c * _BC, _BC)]]
            return pltpu.make_async_copy(src, rows.at[b], gsem.at[b])

        def wcopy(b, l, c):
            dst = out_hbm.at[l, pl.ds(b0 + c * _BC, _BC)]
            return pltpu.make_async_copy(rows.at[b], dst, wsem.at[b])

        for b in range(2):
            gcopy(b, 0, b).start()

        def group(l, carry):
            for b in range(2):
                gcopy(b, l, b).wait()
            for b in range(2):
                wcopy(b, l, b).start()
            @pl.when(l > 0)
            def _():
                for b in range(2):
                    wcopy(2 + b, l - 1, 2 + b).wait()
            for b in range(2):
                gcopy(2 + b, l, 2 + b).start()
            for b in range(2):
                gcopy(2 + b, l, 2 + b).wait()
            for b in range(2):
                wcopy(2 + b, l, 2 + b).start()
            for b in range(2):
                wcopy(b, l, b).wait()
            @pl.when(l + 1 < _L_SEQ)
            def _():
                for b in range(2):
                    gcopy(b, l + 1, b).start()
            return carry

        lax.fori_loop(0, _L_SEQ, group, 0)
        for b in range(2):
            wcopy(2 + b, _L_SEQ - 1, 2 + b).wait()

    return gather_k


def kernel(t, table, W1, b1, W2, b2):
    mlp_tab = _mlp_table(table, W1, b1, W2, b2)
    out_lbd = _make_gather()(mlp_tab, t.T)
    return out_lbd.transpose(1, 0, 2)

# --- scband reference (transcript-rebuilt; emitter-appended) ---
"""Pipeline reference for scband-target-embedding-29712583753792 (READ-ONLY COPY).

The authoritative reference and input builder live on the scoring server;
editing this copy changes nothing except your own understanding.
"""

import jax, jax.numpy as jnp
import numpy as np

NUM_LABELS = 100000
D_MODEL = 64
DIM = 128
B = 16384
L = 50


def setup_inputs(seed: int = 0) -> dict:
    key = jax.random.key(seed)
    k_t, k_tab, k_w1, k_b1, k_w2, k_b2 = jax.random.split(key, 6)
    t = jax.random.randint(k_t, (B, L), 0, NUM_LABELS, dtype=jnp.int64) if jax.config.jax_enable_x64 else jax.random.randint(k_t, (B, L), 0, NUM_LABELS, dtype=jnp.int32)
    table = jax.random.normal(k_tab, (NUM_LABELS, D_MODEL), dtype=jnp.float32)
    # torch Linear init: U(-1/sqrt(fan_in), 1/sqrt(fan_in))
    lim1 = 1.0 / np.sqrt(D_MODEL)
    W1 = jax.random.uniform(k_w1, (D_MODEL, DIM), minval=-lim1, maxval=lim1, dtype=jnp.float32)
    b1 = jax.random.uniform(k_b1, (DIM,), minval=-lim1, maxval=lim1, dtype=jnp.float32)
    lim2 = 1.0 / np.sqrt(DIM)
    W2 = jax.random.uniform(k_w2, (DIM, DIM), minval=-lim2, maxval=lim2, dtype=jnp.float32)
    b2 = jax.random.uniform(k_b2, (DIM,), minval=-lim2, maxval=lim2, dtype=jnp.float32)
    return {"t": t, "table": table, "W1": W1, "b1": b1, "W2": W2, "b2": b2}


def reference(t, table, W1, b1, W2, b2):
    # nn.Embedding with padding_idx=0: row 0 is zeros
    table_eff = table.at[0].set(0.0)
    emb = jnp.take(table_eff, t, axis=0)  # [B, L, D_MODEL]
    h = emb @ W1 + b1
    h = jax.nn.gelu(h, approximate=False)  # torch default GELU is exact erf
    out = h @ W2 + b2
    return out

if __name__ == "__main__":
    import jax
    _d = setup_inputs()
    print(jax.jit(kernel)(*tuple(_d.values())))

</pallas_src>

<mosaic_0001>
#map = affine_map<(d0, d1) -> (0, 0)>
#map1 = affine_map<(d0, d1) -> (0, 0, 0)>
module attributes {stable_mosaic.version = 14 : i64} {
  func.func @gather_k(%arg0: i32, %arg1: i32, %arg2: memref<100000x128xf32, #tpu.memory_space<hbm>>, %arg3: memref<50x16384xi32, #tpu.memory_space<hbm>>, %arg4: memref<50x16384x128xf32, #tpu.memory_space<hbm>>, %arg5: memref<50x512xi32, #tpu.memory_space<vmem>>, %arg6: memref<4x128x128xf32, #tpu.memory_space<vmem>>, %arg7: memref<4x!tpu.dma_semaphore, #tpu.memory_space<semaphore_mem>>, %arg8: memref<4x!tpu.dma_semaphore, #tpu.memory_space<semaphore_mem>>) attributes {dimension_semantics = [#tpu.dimension_semantics<core_parallel>, #tpu.dimension_semantics<subcore_parallel>], iteration_bounds = array<i64: 2, 16>, scalar_prefetch = 0 : i64, scratch_operands = 4 : i64, tpu.core_type = #tpu.core_type<sc_vector_subcore>, window_params = [{transform_indices = #map}, {transform_indices = #map}, {transform_indices = #map1}]} {
    %mul3A = arith.constant 2 : i32
    %mul3A_0 = arith.muli %arg1, %mul3A : i32
    %add3A = arith.addi %mul3A_0, %arg0 : i32
    %mul3A_1 = arith.constant 512 : i32
    %mul3A_2 = arith.muli %add3A, %mul3A_1 : i32
    "tpu.region"() ({
      %run_scoped3A = tpu.sem_alloc : memref<!tpu.dma_semaphore, #tpu.memory_space<semaphore_mem>>
      %dma_start3A_78 = arith.constant 0 : i32
      %dma_start3A_79 = tpu.memref_slice %arg3[%dma_start3A_78, %mul3A_2] : memref<50x16384xi32, #tpu.memory_space<hbm>> -> memref<50x512xi32, #tpu.memory_space<hbm>>
      %dma_start3A_80 = arith.constant 0 : i32
      %dma_start3A_81 = tpu.memref_slice %arg3[%dma_start3A_80, %mul3A_2] : memref<50x16384xi32, #tpu.memory_space<hbm>> -> memref<50x512xi32, #tpu.memory_space<hbm>>
      tpu.enqueue_dma source(%dma_start3A_81 : memref<50x512xi32, #tpu.memory_space<hbm>>) target(%arg5 : memref<50x512xi32, #tpu.memory_space<vmem>>) target_semaphore(%run_scoped3A : memref<!tpu.dma_semaphore, #tpu.memory_space<semaphore_mem>>)
      %dma_wait3A_82 = arith.constant 0 : i32
      %dma_wait3A_83 = tpu.memref_slice %arg3[%dma_wait3A_82, %mul3A_2] : memref<50x16384xi32, #tpu.memory_space<hbm>> -> memref<50x512xi32, #tpu.memory_space<hbm>>
      %dma_wait3A_84 = arith.constant 0 : i32
      %dma_wait3A_85 = tpu.memref_slice %arg3[%dma_wait3A_84, %mul3A_2] : memref<50x16384xi32, #tpu.memory_space<hbm>> -> memref<50x512xi32, #tpu.memory_space<hbm>>
      tpu.wait_dma2 semaphore(%run_scoped3A : memref<!tpu.dma_semaphore, #tpu.memory_space<semaphore_mem>>) src(%dma_wait3A_85 : memref<50x512xi32, #tpu.memory_space<hbm>>) dst(%arg5 : memref<50x512xi32, #tpu.memory_space<vmem>>)
      tpu.yield
    }) : () -> ()
    %dma_start3A = arith.constant 0 : i32
    %dma_start3A_3 = arith.constant 0 : i32
    %dma_start3A_4 = arith.constant 0 : i32
    %dma_start3A_5 = arith.constant 0 : i32
    %dma_start3A_6 = arith.constant 0 : i32
    %dma_start3A_7 = tpu.memref_slice %arg6[%dma_start3A_3, %dma_start3A_5, %dma_start3A_6] : memref<4x128x128xf32, #tpu.memory_space<vmem>> -> memref<1x128x128xf32, #tpu.memory_space<vmem>>
    %dma_start3A_8 = tpu.memref_squeeze %dma_start3A_7 : memref<1x128x128xf32, #tpu.memory_space<vmem>> -> memref<128x128xf32, #tpu.memory_space<vmem>>
    %dma_start3A_9 = arith.constant 0 : i32
    %dma_start3A_10 = tpu.memref_slice %arg5[%dma_start3A, %dma_start3A_9] : memref<50x512xi32, #tpu.memory_space<vmem>> -> memref<1x128xi32, #tpu.memory_space<vmem>>
    %dma_start3A_11 = tpu.memref_squeeze %dma_start3A_10 : memref<1x128xi32, #tpu.memory_space<vmem>> -> memref<128xi32, #tpu.memory_space<vmem>>
    %dma_start3A_12 = arith.constant 0 : i32
    %dma_start3A_13 = arith.constant 0 : i32
    %dma_start3A_14 = tpu.memref_slice %arg2[%dma_start3A_12, %dma_start3A_13] : memref<100000x128xf32, #tpu.memory_space<hbm>> -> memref<100000x128xf32, #tpu.memory_space<hbm>>
    %dma_start3A_15 = tpu.memref_slice %arg7[%dma_start3A_4] : memref<4x!tpu.dma_semaphore, #tpu.memory_space<semaphore_mem>> -> memref<1x!tpu.dma_semaphore, #tpu.memory_space<semaphore_mem>>
    %dma_start3A_16 = tpu.memref_squeeze %dma_start3A_15 : memref<1x!tpu.dma_semaphore, #tpu.memory_space<semaphore_mem>> -> memref<!tpu.dma_semaphore, #tpu.memory_space<semaphore_mem>>
    tpu.enqueue_indirect_dma source(%dma_start3A_14 : memref<100000x128xf32, #tpu.memory_space<hbm>>) target(%dma_start3A_8 : memref<128x128xf32, #tpu.memory_space<vmem>>) offsets(%dma_start3A_11 : memref<128xi32, #tpu.memory_space<vmem>>) semaphore(%dma_start3A_16 : memref<!tpu.dma_semaphore, #tpu.memory_space<semaphore_mem>>)
    %dma_start3A_17 = arith.constant 0 : i32
    %dma_start3A_18 = arith.constant 1 : i32
    %dma_start3A_19 = arith.constant 1 : i32
    %dma_start3A_20 = arith.constant 0 : i32
    %dma_start3A_21 = arith.constant 0 : i32
    %dma_start3A_22 = tpu.memref_slice %arg6[%dma_start3A_18, %dma_start3A_20, %dma_start3A_21] : memref<4x128x128xf32, #tpu.memory_space<vmem>> -> memref<1x128x128xf32, #tpu.memory_space<vmem>>
    %dma_start3A_23 = tpu.memref_squeeze %dma_start3A_22 : memref<1x128x128xf32, #tpu.memory_space<vmem>> -> memref<128x128xf32, #tpu.memory_space<vmem>>
    %dma_start3A_24 = arith.constant 128 : i32
    %dma_start3A_25 = tpu.memref_slice %arg5[%dma_start3A_17, %dma_start3A_24] : memref<50x512xi32, #tpu.memory_space<vmem>> -> memref<1x128xi32, #tpu.memory_space<vmem>>
    %dma_start3A_26 = tpu.memref_squeeze %dma_start3A_25 : memref<1x128xi32, #tpu.memory_space<vmem>> -> memref<128xi32, #tpu.memory_space<vmem>>
    %dma_start3A_27 = arith.constant 0 : i32
    %dma_start3A_28 = arith.constant 0 : i32
    %dma_start3A_29 = tpu.memref_slice %arg2[%dma_start3A_27, %dma_start3A_28] : memref<100000x128xf32, #tpu.memory_space<hbm>> -> memref<100000x128xf32, #tpu.memory_space<hbm>>
    %dma_start3A_30 = tpu.memref_slice %arg7[%dma_start3A_19] : memref<4x!tpu.dma_semaphore, #tpu.memory_space<semaphore_mem>> -> memref<1x!tpu.dma_semaphore, #tpu.memory_space<semaphore_mem>>
    %dma_start3A_31 = tpu.memref_squeeze %dma_start3A_30 : memref<1x!tpu.dma_semaphore, #tpu.memory_space<semaphore_mem>> -> memref<!tpu.dma_semaphore, #tpu.memory_space<semaphore_mem>>
    tpu.enqueue_indirect_dma source(%dma_start3A_29 : memref<100000x128xf32, #tpu.memory_space<hbm>>) target(%dma_start3A_23 : memref<128x128xf32, #tpu.memory_space<vmem>>) offsets(%dma_start3A_26 : memref<128xi32, #tpu.memory_space<vmem>>) semaphore(%dma_start3A_31 : memref<!tpu.dma_semaphore, #tpu.memory_space<semaphore_mem>>)
    %scan3A = arith.constant 0 : i32
    %scan3A_32 = arith.constant 0 : i32
    %scan3A_33 = arith.constant 50 : i32
    %scan3A_34 = arith.addi %scan3A_32, %scan3A_33 : i32
    %scan3A_35 = arith.constant 1 : i32
    scf.for %scan3A_78 = %scan3A_32 to %scan3A_34 step %scan3A_35  : i32 {
      %dma_wait3A_79 = arith.constant 0 : i32
      %dma_wait3A_80 = arith.constant 0 : i32
      %dma_wait3A_81 = arith.constant 0 : i32
      %dma_wait3A_82 = arith.constant 0 : i32
      %dma_wait3A_83 = tpu.memref_slice %arg6[%dma_wait3A_79, %dma_wait3A_81, %dma_wait3A_82] : memref<4x128x128xf32, #tpu.memory_space<vmem>> -> memref<1x128x128xf32, #tpu.memory_space<vmem>>
      %dma_wait3A_84 = tpu.memref_squeeze %dma_wait3A_83 : memref<1x128x128xf32, #tpu.memory_space<vmem>> -> memref<128x128xf32, #tpu.memory_space<vmem>>
      %dma_wait3A_85 = arith.constant 0 : i32
      %dma_wait3A_86 = tpu.memref_slice %arg5[%scan3A_78, %dma_wait3A_85] : memref<50x512xi32, #tpu.memory_space<vmem>> -> memref<1x128xi32, #tpu.memory_space<vmem>>
      %dma_wait3A_87 = tpu.memref_squeeze %dma_wait3A_86 : memref<1x128xi32, #tpu.memory_space<vmem>> -> memref<128xi32, #tpu.memory_space<vmem>>
      %dma_wait3A_88 = arith.constant 0 : i32
      %dma_wait3A_89 = arith.constant 0 : i32
      %dma_wait3A_90 = tpu.memref_slice %arg2[%dma_wait3A_88, %dma_wait3A_89] : memref<100000x128xf32, #tpu.memory_space<hbm>> -> memref<100000x128xf32, #tpu.memory_space<hbm>>
      %dma_wait3A_91 = tpu.memref_slice %arg7[%dma_wait3A_80] : memref<4x!tpu.dma_semaphore, #tpu.memory_space<semaphore_mem>> -> memref<1x!tpu.dma_semaphore, #tpu.memory_space<semaphore_mem>>
      %dma_wait3A_92 = tpu.memref_squeeze %dma_wait3A_91 : memref<1x!tpu.dma_semaphore, #tpu.memory_space<semaphore_mem>> -> memref<!tpu.dma_semaphore, #tpu.memory_space<semaphore_mem>>
      tpu.wait_indirect_dma semaphore(%dma_wait3A_92 : memref<!tpu.dma_semaphore, #tpu.memory_space<semaphore_mem>>) src(%dma_wait3A_90 : memref<100000x128xf32, #tpu.memory_space<hbm>>) dst(%dma_wait3A_84 : memref<128x128xf32, #tpu.memory_space<vmem>>)
      %dma_wait3A_93 = arith.constant 1 : i32
      %dma_wait3A_94 = arith.constant 1 : i32
      %dma_wait3A_95 = arith.constant 0 : i32
      %dma_wait3A_96 = arith.constant 0 : i32
      %dma_wait3A_97 = tpu.memref_slice %arg6[%dma_wait3A_93, %dma_wait3A_95, %dma_wait3A_96] : memref<4x128x128xf32, #tpu.memory_space<vmem>> -> memref<1x128x128xf32, #tpu.memory_space<vmem>>
      %dma_wait3A_98 = tpu.memref_squeeze %dma_wait3A_97 : memref<1x128x128xf32, #tpu.memory_space<vmem>> -> memref<128x128xf32, #tpu.memory_space<vmem>>
      %dma_wait3A_99 = arith.constant 128 : i32
      %dma_wait3A_100 = tpu.memref_slice %arg5[%scan3A_78, %dma_wait3A_99] : memref<50x512xi32, #tpu.memory_space<vmem>> -> memref<1x128xi32, #tpu.memory_space<vmem>>
      %dma_wait3A_101 = tpu.memref_squeeze %dma_wait3A_100 : memref<1x128xi32, #tpu.memory_space<vmem>> -> memref<128xi32, #tpu.memory_space<vmem>>
      %dma_wait3A_102 = arith.constant 0 : i32
      %dma_wait3A_103 = arith.constant 0 : i32
      %dma_wait3A_104 = tpu.memref_slice %arg2[%dma_wait3A_102, %dma_wait3A_103] : memref<100000x128xf32, #tpu.memory_space<hbm>> -> memref<100000x128xf32, #tpu.memory_space<hbm>>
      %dma_wait3A_105 = tpu.memref_slice %arg7[%dma_wait3A_94] : memref<4x!tpu.dma_semaphore, #tpu.memory_space<semaphore_mem>> -> memref<1x!tpu.dma_semaphore, #tpu.memory_space<semaphore_mem>>
      %dma_wait3A_106 = tpu.memref_squeeze %dma_wait3A_105 : memref<1x!tpu.dma_semaphore, #tpu.memory_space<semaphore_mem>> -> memref<!tpu.dma_semaphore, #tpu.memory_space<semaphore_mem>>
      tpu.wait_indirect_dma semaphore(%dma_wait3A_106 : memref<!tpu.dma_semaphore, #tpu.memory_space<semaphore_mem>>) src(%dma_wait3A_104 : memref<100000x128xf32, #tpu.memory_space<hbm>>) dst(%dma_wait3A_98 : memref<128x128xf32, #tpu.memory_space<vmem>>)
      %add3A_107 = arith.constant 0 : i32
      %add3A_108 = arith.addi %mul3A_2, %add3A_107 : i32
      %dma_start3A_109 = arith.constant 0 : i32
      %dma_start3A_110 = arith.constant 0 : i32
      %dma_start3A_111 = arith.constant 0 : i32
      %dma_start3A_112 = arith.constant 0 : i32
      %dma_start3A_113 = tpu.memref_slice %arg6[%dma_start3A_109, %dma_start3A_111, %dma_start3A_112] : memref<4x128x128xf32, #tpu.memory_space<vmem>> -> memref<1x128x128xf32, #tpu.memory_space<vmem>>
      %dma_start3A_114 = tpu.memref_squeeze %dma_start3A_113 : memref<1x128x128xf32, #tpu.memory_space<vmem>> -> memref<128x128xf32, #tpu.memory_space<vmem>>
      %dma_start3A_115 = arith.constant 0 : i32
      %dma_start3A_116 = tpu.memref_slice %arg4[%scan3A_78, %add3A_108, %dma_start3A_115] : memref<50x16384x128xf32, #tpu.memory_space<hbm>> -> memref<1x128x128xf32, #tpu.memory_space<hbm>>
      %dma_start3A_117 = tpu.memref_squeeze %dma_start3A_116 : memref<1x128x128xf32, #tpu.memory_space<hbm>> -> memref<128x128xf32, #tpu.memory_space<hbm>>
      %dma_start3A_118 = tpu.memref_slice %arg8[%dma_start3A_110] : memref<4x!tpu.dma_semaphore, #tpu.memory_space<semaphore_mem>> -> memref<1x!tpu.dma_semaphore, #tpu.memory_space<semaphore_mem>>
      %dma_start3A_119 = tpu.memref_squeeze %dma_start3A_118 : memref<1x!tpu.dma_semaphore, #tpu.memory_space<semaphore_mem>> -> memref<!tpu.dma_semaphore, #tpu.memory_space<semaphore_mem>>
      %dma_start3A_120 = arith.constant 0 : i32
      %dma_start3A_121 = tpu.memref_slice %arg4[%scan3A_78, %add3A_108, %dma_start3A_120] : memref<50x16384x128xf32, #tpu.memory_space<hbm>> -> memref<1x128x128xf32, #tpu.memory_space<hbm>>
      %dma_start3A_122 = tpu.memref_squeeze %dma_start3A_121 : memref<1x128x128xf32, #tpu.memory_space<hbm>> -> memref<128x128xf32, #tpu.memory_space<hbm>>
      %dma_start3A_123 = arith.constant 0 : i32
      %dma_start3A_124 = arith.constant 0 : i32
      %dma_start3A_125 = tpu.memref_slice %arg6[%dma_start3A_109, %dma_start3A_123, %dma_start3A_124] : memref<4x128x128xf32, #tpu.memory_space<vmem>> -> memref<1x128x128xf32, #tpu.memory_space<vmem>>
      %dma_start3A_126 = tpu.memref_squeeze %dma_start3A_125 : memref<1x128x128xf32, #tpu.memory_space<vmem>> -> memref<128x128xf32, #tpu.memory_space<vmem>>
      tpu.enqueue_dma source(%dma_start3A_126 : memref<128x128xf32, #tpu.memory_space<vmem>>) target(%dma_start3A_122 : memref<128x128xf32, #tpu.memory_space<hbm>>) target_semaphore(%dma_start3A_119 : memref<!tpu.dma_semaphore, #tpu.memory_space<semaphore_mem>>)
      %add3A_127 = arith.constant 128 : i32
      %add3A_128 = arith.addi %mul3A_2, %add3A_127 : i32
      %dma_start3A_129 = arith.constant 1 : i32
      %dma_start3A_130 = arith.constant 1 : i32
      %dma_start3A_131 = arith.constant 0 : i32
      %dma_start3A_132 = arith.constant 0 : i32
      %dma_start3A_133 = tpu.memref_slice %arg6[%dma_start3A_129, %dma_start3A_131, %dma_start3A_132] : memref<4x128x128xf32, #tpu.memory_space<vmem>> -> memref<1x128x128xf32, #tpu.memory_space<vmem>>
      %dma_start3A_134 = tpu.memref_squeeze %dma_start3A_133 : memref<1x128x128xf32, #tpu.memory_space<vmem>> -> memref<128x128xf32, #tpu.memory_space<vmem>>
      %dma_start3A_135 = arith.constant 0 : i32
      %dma_start3A_136 = tpu.memref_slice %arg4[%scan3A_78, %add3A_128, %dma_start3A_135] : memref<50x16384x128xf32, #tpu.memory_space<hbm>> -> memref<1x128x128xf32, #tpu.memory_space<hbm>>
      %dma_start3A_137 = tpu.memref_squeeze %dma_start3A_136 : memref<1x128x128xf32, #tpu.memory_space<hbm>> -> memref<128x128xf32, #tpu.memory_space<hbm>>
      %dma_start3A_138 = tpu.memref_slice %arg8[%dma_start3A_130] : memref<4x!tpu.dma_semaphore, #tpu.memory_space<semaphore_mem>> -> memref<1x!tpu.dma_semaphore, #tpu.memory_space<semaphore_mem>>
      %dma_start3A_139 = tpu.memref_squeeze %dma_start3A_138 : memref<1x!tpu.dma_semaphore, #tpu.memory_space<semaphore_mem>> -> memref<!tpu.dma_semaphore, #tpu.memory_space<semaphore_mem>>
      %dma_start3A_140 = arith.constant 0 : i32
      %dma_start3A_141 = tpu.memref_slice %arg4[%scan3A_78, %add3A_128, %dma_start3A_140] : memref<50x16384x128xf32, #tpu.memory_space<hbm>> -> memref<1x128x128xf32, #tpu.memory_space<hbm>>
      %dma_start3A_142 = tpu.memref_squeeze %dma_start3A_141 : memref<1x128x128xf32, #tpu.memory_space<hbm>> -> memref<128x128xf32, #tpu.memory_space<hbm>>
      %dma_start3A_143 = arith.constant 0 : i32
      %dma_start3A_144 = arith.constant 0 : i32
      %dma_start3A_145 = tpu.memref_slice %arg6[%dma_start3A_129, %dma_start3A_143, %dma_start3A_144] : memref<4x128x128xf32, #tpu.memory_space<vmem>> -> memref<1x128x128xf32, #tpu.memory_space<vmem>>
      %dma_start3A_146 = tpu.memref_squeeze %dma_start3A_145 : memref<1x128x128xf32, #tpu.memory_space<vmem>> -> memref<128x128xf32, #tpu.memory_space<vmem>>
      tpu.enqueue_dma source(%dma_start3A_146 : memref<128x128xf32, #tpu.memory_space<vmem>>) target(%dma_start3A_142 : memref<128x128xf32, #tpu.memory_space<hbm>>) target_semaphore(%dma_start3A_139 : memref<!tpu.dma_semaphore, #tpu.memory_space<semaphore_mem>>)
      %gt3A = arith.constant 0 : i32
      %gt3A_147 = arith.cmpi sgt, %scan3A_78, %gt3A : i32
      %convert_element_type3A = arith.extui %gt3A_147 : i1 to i32
      %cond3A = arith.constant 0 : i32
      %cond3A_148 = arith.cmpi ne, %convert_element_type3A, %cond3A : i32
      scf.if %cond3A_148 {
        %sub3A = arith.constant 1 : i32
        %sub3A_291 = arith.subi %scan3A_78, %sub3A : i32
        %add3A_292 = arith.constant 256 : i32
        %add3A_293 = arith.addi %mul3A_2, %add3A_292 : i32
        %dma_wait3A_294 = arith.constant 2 : i32
        %dma_wait3A_295 = arith.constant 2 : i32
        %dma_wait3A_296 = arith.constant 0 : i32
        %dma_wait3A_297 = arith.constant 0 : i32
        %dma_wait3A_298 = tpu.memref_slice %arg6[%dma_wait3A_294, %dma_wait3A_296, %dma_wait3A_297] : memref<4x128x128xf32, #tpu.memory_space<vmem>> -> memref<1x128x128xf32, #tpu.memory_space<vmem>>
        %dma_wait3A_299 = tpu.memref_squeeze %dma_wait3A_298 : memref<1x128x128xf32, #tpu.memory_space<vmem>> -> memref<128x128xf32, #tpu.memory_space<vmem>>
        %dma_wait3A_300 = arith.constant 0 : i32
        %dma_wait3A_301 = tpu.memref_slice %arg4[%sub3A_291, %add3A_293, %dma_wait3A_300] : memref<50x16384x128xf32, #tpu.memory_space<hbm>> -> memref<1x128x128xf32, #tpu.memory_space<hbm>>
        %dma_wait3A_302 = tpu.memref_squeeze %dma_wait3A_301 : memref<1x128x128xf32, #tpu.memory_space<hbm>> -> memref<128x128xf32, #tpu.memory_space<hbm>>
        %dma_wait3A_303 = tpu.memref_slice %arg8[%dma_wait3A_295] : memref<4x!tpu.dma_semaphore, #tpu.memory_space<semaphore_mem>> -> memref<1x!tpu.dma_semaphore, #tpu.memory_space<semaphore_mem>>
        %dma_wait3A_304 = tpu.memref_squeeze %dma_wait3A_303 : memref<1x!tpu.dma_semaphore, #tpu.memory_space<semaphore_mem>> -> memref<!tpu.dma_semaphore, #tpu.memory_space<semaphore_mem>>
        %dma_wait3A_305 = arith.constant 0 : i32
        %dma_wait3A_306 = tpu.memref_slice %arg4[%sub3A_291, %add3A_293, %dma_wait3A_305] : memref<50x16384x128xf32, #tpu.memory_space<hbm>> -> memref<1x128x128xf32, #tpu.memory_space<hbm>>
        %dma_wait3A_307 = tpu.memref_squeeze %dma_wait3A_306 : memref<1x128x128xf32, #tpu.memory_space<hbm>> -> memref<128x128xf32, #tpu.memory_space<hbm>>
        %dma_wait3A_308 = arith.constant 0 : i32
        %dma_wait3A_309 = arith.constant 0 : i32
        %dma_wait3A_310 = tpu.memref_slice %arg6[%dma_wait3A_294, %dma_wait3A_308, %dma_wait3A_309] : memref<4x128x128xf32, #tpu.memory_space<vmem>> -> memref<1x128x128xf32, #tpu.memory_space<vmem>>
        %dma_wait3A_311 = tpu.memref_squeeze %dma_wait3A_310 : memref<1x128x128xf32, #tpu.memory_space<vmem>> -> memref<128x128xf32, #tpu.memory_space<vmem>>
        tpu.wait_dma2 semaphore(%dma_wait3A_304 : memref<!tpu.dma_semaphore, #tpu.memory_space<semaphore_mem>>) src(%dma_wait3A_311 : memref<128x128xf32, #tpu.memory_space<vmem>>) dst(%dma_wait3A_307 : memref<128x128xf32, #tpu.memory_space<hbm>>)
        %sub3A_312 = arith.constant 1 : i32
        %sub3A_313 = arith.subi %scan3A_78, %sub3A_312 : i32
        %add3A_314 = arith.constant 384 : i32
        %add3A_315 = arith.addi %mul3A_2, %add3A_314 : i32
        %dma_wait3A_316 = arith.constant 3 : i32
        %dma_wait3A_317 = arith.constant 3 : i32
        %dma_wait3A_318 = arith.constant 0 : i32
        %dma_wait3A_319 = arith.constant 0 : i32
        %dma_wait3A_320 = tpu.memref_slice %arg6[%dma_wait3A_316, %dma_wait3A_318, %dma_wait3A_319] : memref<4x128x128xf32, #tpu.memory_space<vmem>> -> memref<1x128x128xf32, #tpu.memory_space<vmem>>
        %dma_wait3A_321 = tpu.memref_squeeze %dma_wait3A_320 : memref<1x128x128xf32, #tpu.memory_space<vmem>> -> memref<128x128xf32, #tpu.memory_space<vmem>>
        %dma_wait3A_322 = arith.constant 0 : i32
        %dma_wait3A_323 = tpu.memref_slice %arg4[%sub3A_313, %add3A_315, %dma_wait3A_322] : memref<50x16384x128xf32, #tpu.memory_space<hbm>> -> memref<1x128x128xf32, #tpu.memory_space<hbm>>
        %dma_wait3A_324 = tpu.memref_squeeze %dma_wait3A_323 : memref<1x128x128xf32, #tpu.memory_space<hbm>> -> memref<128x128xf32, #tpu.memory_space<hbm>>
        %dma_wait3A_325 = tpu.memref_slice %arg8[%dma_wait3A_317] : memref<4x!tpu.dma_semaphore, #tpu.memory_space<semaphore_mem>> -> memref<1x!tpu.dma_semaphore, #tpu.memory_space<semaphore_mem>>
        %dma_wait3A_326 = tpu.memref_squeeze %dma_wait3A_325 : memref<1x!tpu.dma_semaphore, #tpu.memory_space<semaphore_mem>> -> memref<!tpu.dma_semaphore, #tpu.memory_space<semaphore_mem>>
        %dma_wait3A_327 = arith.constant 0 : i32
        %dma_wait3A_328 = tpu.memref_slice %arg4[%sub3A_313, %add3A_315, %dma_wait3A_327] : memref<50x16384x128xf32, #tpu.memory_space<hbm>> -> memref<1x128x128xf32, #tpu.memory_space<hbm>>
        %dma_wait3A_329 = tpu.memref_squeeze %dma_wait3A_328 : memref<1x128x128xf32, #tpu.memory_space<hbm>> -> memref<128x128xf32, #tpu.memory_space<hbm>>
        %dma_wait3A_330 = arith.constant 0 : i32
        %dma_wait3A_331 = arith.constant 0 : i32
        %dma_wait3A_332 = tpu.memref_slice %arg6[%dma_wait3A_316, %dma_wait3A_330, %dma_wait3A_331] : memref<4x128x128xf32, #tpu.memory_space<vmem>> -> memref<1x128x128xf32, #tpu.memory_space<vmem>>
        %dma_wait3A_333 = tpu.memref_squeeze %dma_wait3A_332 : memref<1x128x128xf32, #tpu.memory_space<vmem>> -> memref<128x128xf32, #tpu.memory_space<vmem>>
        tpu.wait_dma2 semaphore(%dma_wait3A_326 : memref<!tpu.dma_semaphore, #tpu.memory_space<semaphore_mem>>) src(%dma_wait3A_333 : memref<128x128xf32, #tpu.memory_space<vmem>>) dst(%dma_wait3A_329 : memref<128x128xf32, #tpu.memory_space<hbm>>)
      } else {
      }
      %dma_start3A_149 = arith.constant 2 : i32
      %dma_start3A_150 = arith.constant 2 : i32
      %dma_start3A_151 = arith.constant 0 : i32
      %dma_start3A_152 = arith.constant 0 : i32
      %dma_start3A_153 = tpu.memref_slice %arg6[%dma_start3A_149, %dma_start3A_151, %dma_start3A_152] : memref<4x128x128xf32, #tpu.memory_space<vmem>> -> memref<1x128x128xf32, #tpu.memory_space<vmem>>
      %dma_start3A_154 = tpu.memref_squeeze %dma_start3A_153 : memref<1x128x128xf32, #tpu.memory_space<vmem>> -> memref<128x128xf32, #tpu.memory_space<vmem>>
      %dma_start3A_155 = arith.constant 256 : i32
      %dma_start3A_156 = tpu.memref_slice %arg5[%scan3A_78, %dma_start3A_155] : memref<50x512xi32, #tpu.memory_space<vmem>> -> memref<1x128xi32, #tpu.memory_space<vmem>>
      %dma_start3A_157 = tpu.memref_squeeze %dma_start3A_156 : memref<1x128xi32, #tpu.memory_space<vmem>> -> memref<128xi32, #tpu.memory_space<vmem>>
      %dma_start3A_158 = arith.constant 0 : i32
      %dma_start3A_159 = arith.constant 0 : i32
      %dma_start3A_160 = tpu.memref_slice %arg2[%dma_start3A_158, %dma_start3A_159] : memref<100000x128xf32, #tpu.memory_space<hbm>> -> memref<100000x128xf32, #tpu.memory_space<hbm>>
      %dma_start3A_161 = tpu.memref_slice %arg7[%dma_start3A_150] : memref<4x!tpu.dma_semaphore, #tpu.memory_space<semaphore_mem>> -> memref<1x!tpu.dma_semaphore, #tpu.memory_space<semaphore_mem>>
      %dma_start3A_162 = tpu.memref_squeeze %dma_start3A_161 : memref<1x!tpu.dma_semaphore, #tpu.memory_space<semaphore_mem>> -> memref<!tpu.dma_semaphore, #tpu.memory_space<semaphore_mem>>
      tpu.enqueue_indirect_dma source(%dma_start3A_160 : memref<100000x128xf32, #tpu.memory_space<hbm>>) target(%dma_start3A_154 : memref<128x128xf32, #tpu.memory_space<vmem>>) offsets(%dma_start3A_157 : memref<128xi32, #tpu.memory_space<vmem>>) semaphore(%dma_start3A_162 : memref<!tpu.dma_semaphore, #tpu.memory_space<semaphore_mem>>)
      %dma_start3A_163 = arith.constant 3 : i32
      %dma_start3A_164 = arith.constant 3 : i32
      %dma_start3A_165 = arith.constant 0 : i32
      %dma_start3A_166 = arith.constant 0 : i32
      %dma_start3A_167 = tpu.memref_slice %arg6[%dma_start3A_163, %dma_start3A_165, %dma_start3A_166] : memref<4x128x128xf32, #tpu.memory_space<vmem>> -> memref<1x128x128xf32, #tpu.memory_space<vmem>>
      %dma_start3A_168 = tpu.memref_squeeze %dma_start3A_167 : memref<1x128x128xf32, #tpu.memory_space<vmem>> -> memref<128x128xf32, #tpu.memory_space<vmem>>
      %dma_start3A_169 = arith.constant 384 : i32
      %dma_start3A_170 = tpu.memref_slice %arg5[%scan3A_78, %dma_start3A_169] : memref<50x512xi32, #tpu.memory_space<vmem>> -> memref<1x128xi32, #tpu.memory_space<vmem>>
      %dma_start3A_171 = tpu.memref_squeeze %dma_start3A_170 : memref<1x128xi32, #tpu.memory_space<vmem>> -> memref<128xi32, #tpu.memory_space<vmem>>
      %dma_start3A_172 = arith.constant 0 : i32
      %dma_start3A_173 = arith.constant 0 : i32
      %dma_start3A_174 = tpu.memref_slice %arg2[%dma_start3A_172, %dma_start3A_173] : memref<100000x128xf32, #tpu.memory_space<hbm>> -> memref<100000x128xf32, #tpu.memory_space<hbm>>
      %dma_start3A_175 = tpu.memref_slice %arg7[%dma_start3A_164] : memref<4x!tpu.dma_semaphore, #tpu.memory_space<semaphore_mem>> -> memref<1x!tpu.dma_semaphore, #tpu.memory_space<semaphore_mem>>
      %dma_start3A_176 = tpu.memref_squeeze %dma_start3A_175 : memref<1x!tpu.dma_semaphore, #tpu.memory_space<semaphore_mem>> -> memref<!tpu.dma_semaphore, #tpu.memory_space<semaphore_mem>>
      tpu.enqueue_indirect_dma source(%dma_start3A_174 : memref<100000x128xf32, #tpu.memory_space<hbm>>) target(%dma_start3A_168 : memref<128x128xf32, #tpu.memory_space<vmem>>) offsets(%dma_start3A_171 : memref<128xi32, #tpu.memory_space<vmem>>) semaphore(%dma_start3A_176 : memref<!tpu.dma_semaphore, #tpu.memory_space<semaphore_mem>>)
      %dma_wait3A_177 = arith.constant 2 : i32
      %dma_wait3A_178 = arith.constant 2 : i32
      %dma_wait3A_179 = arith.constant 0 : i32
      %dma_wait3A_180 = arith.constant 0 : i32
      %dma_wait3A_181 = tpu.memref_slice %arg6[%dma_wait3A_177, %dma_wait3A_179, %dma_wait3A_180] : memref<4x128x128xf32, #tpu.memory_space<vmem>> -> memref<1x128x128xf32, #tpu.memory_space<vmem>>
      %dma_wait3A_182 = tpu.memref_squeeze %dma_wait3A_181 : memref<1x128x128xf32, #tpu.memory_space<vmem>> -> memref<128x128xf32, #tpu.memory_space<vmem>>
      %dma_wait3A_183 = arith.constant 256 : i32
      %dma_wait3A_184 = tpu.memref_slice %arg5[%scan3A_78, %dma_wait3A_183] : memref<50x512xi32, #tpu.memory_space<vmem>> -> memref<1x128xi32, #tpu.memory_space<vmem>>
      %dma_wait3A_185 = tpu.memref_squeeze %dma_wait3A_184 : memref<1x128xi32, #tpu.memory_space<vmem>> -> memref<128xi32, #tpu.memory_space<vmem>>
      %dma_wait3A_186 = arith.constant 0 : i32
      %dma_wait3A_187 = arith.constant 0 : i32
      %dma_wait3A_188 = tpu.memref_slice %arg2[%dma_wait3A_186, %dma_wait3A_187] : memref<100000x128xf32, #tpu.memory_space<hbm>> -> memref<100000x128xf32, #tpu.memory_space<hbm>>
      %dma_wait3A_189 = tpu.memref_slice %arg7[%dma_wait3A_178] : memref<4x!tpu.dma_semaphore, #tpu.memory_space<semaphore_mem>> -> memref<1x!tpu.dma_semaphore, #tpu.memory_space<semaphore_mem>>
      %dma_wait3A_190 = tpu.memref_squeeze %dma_wait3A_189 : memref<1x!tpu.dma_semaphore, #tpu.memory_space<semaphore_mem>> -> memref<!tpu.dma_semaphore, #tpu.memory_space<semaphore_mem>>
      tpu.wait_indirect_dma semaphore(%dma_wait3A_190 : memref<!tpu.dma_semaphore, #tpu.memory_space<semaphore_mem>>) src(%dma_wait3A_188 : memref<100000x128xf32, #tpu.memory_space<hbm>>) dst(%dma_wait3A_182 : memref<128x128xf32, #tpu.memory_space<vmem>>)
      %dma_wait3A_191 = arith.constant 3 : i32
      %dma_wait3A_192 = arith.constant 3 : i32
      %dma_wait3A_193 = arith.constant 0 : i32
      %dma_wait3A_194 = arith.constant 0 : i32
      %dma_wait3A_195 = tpu.memref_slice %arg6[%dma_wait3A_191, %dma_wait3A_193, %dma_wait3A_194] : memref<4x128x128xf32, #tpu.memory_space<vmem>> -> memref<1x128x128xf32, #tpu.memory_space<vmem>>
      %dma_wait3A_196 = tpu.memref_squeeze %dma_wait3A_195 : memref<1x128x128xf32, #tpu.memory_space<vmem>> -> memref<128x128xf32, #tpu.memory_space<vmem>>
      %dma_wait3A_197 = arith.constant 384 : i32
      %dma_wait3A_198 = tpu.memref_slice %arg5[%scan3A_78, %dma_wait3A_197] : memref<50x512xi32, #tpu.memory_space<vmem>> -> memref<1x128xi32, #tpu.memory_space<vmem>>
      %dma_wait3A_199 = tpu.memref_squeeze %dma_wait3A_198 : memref<1x128xi32, #tpu.memory_space<vmem>> -> memref<128xi32, #tpu.memory_space<vmem>>
      %dma_wait3A_200 = arith.constant 0 : i32
      %dma_wait3A_201 = arith.constant 0 : i32
      %dma_wait3A_202 = tpu.memref_slice %arg2[%dma_wait3A_200, %dma_wait3A_201] : memref<100000x128xf32, #tpu.memory_space<hbm>> -> memref<100000x128xf32, #tpu.memory_space<hbm>>
      %dma_wait3A_203 = tpu.memref_slice %arg7[%dma_wait3A_192] : memref<4x!tpu.dma_semaphore, #tpu.memory_space<semaphore_mem>> -> memref<1x!tpu.dma_semaphore, #tpu.memory_space<semaphore_mem>>
      %dma_wait3A_204 = tpu.memref_squeeze %dma_wait3A_203 : memref<1x!tpu.dma_semaphore, #tpu.memory_space<semaphore_mem>> -> memref<!tpu.dma_semaphore, #tpu.memory_space<semaphore_mem>>
      tpu.wait_indirect_dma semaphore(%dma_wait3A_204 : memref<!tpu.dma_semaphore, #tpu.memory_space<semaphore_mem>>) src(%dma_wait3A_202 : memref<100000x128xf32, #tpu.memory_space<hbm>>) dst(%dma_wait3A_196 : memref<128x128xf32, #tpu.memory_space<vmem>>)
      %add3A_205 = arith.constant 256 : i32
      %add3A_206 = arith.addi %mul3A_2, %add3A_205 : i32
      %dma_start3A_207 = arith.constant 2 : i32
      %dma_start3A_208 = arith.constant 2 : i32
      %dma_start3A_209 = arith.constant 0 : i32
      %dma_start3A_210 = arith.constant 0 : i32
      %dma_start3A_211 = tpu.memref_slice %arg6[%dma_start3A_207, %dma_start3A_209, %dma_start3A_210] : memref<4x128x128xf32, #tpu.memory_space<vmem>> -> memref<1x128x128xf32, #tpu.memory_space<vmem>>
      %dma_start3A_212 = tpu.memref_squeeze %dma_start3A_211 : memref<1x128x128xf32, #tpu.memory_space<vmem>> -> memref<128x128xf32, #tpu.memory_space<vmem>>
      %dma_start3A_213 = arith.constant 0 : i32
      %dma_start3A_214 = tpu.memref_slice %arg4[%scan3A_78, %add3A_206, %dma_start3A_213] : memref<50x16384x128xf32, #tpu.memory_space<hbm>> -> memref<1x128x128xf32, #tpu.memory_space<hbm>>
      %dma_start3A_215 = tpu.memref_squeeze %dma_start3A_214 : memref<1x128x128xf32, #tpu.memory_space<hbm>> -> memref<128x128xf32, #tpu.memory_space<hbm>>
      %dma_start3A_216 = tpu.memref_slice %arg8[%dma_start3A_208] : memref<4x!tpu.dma_semaphore, #tpu.memory_space<semaphore_mem>> -> memref<1x!tpu.dma_semaphore, #tpu.memory_space<semaphore_mem>>
      %dma_start3A_217 = tpu.memref_squeeze %dma_start3A_216 : memref<1x!tpu.dma_semaphore, #tpu.memory_space<semaphore_mem>> -> memref<!tpu.dma_semaphore, #tpu.memory_space<semaphore_mem>>
      %dma_start3A_218 = arith.constant 0 : i32
      %dma_start3A_219 = tpu.memref_slice %arg4[%scan3A_78, %add3A_206, %dma_start3A_218] : memref<50x16384x128xf32, #tpu.memory_space<hbm>> -> memref<1x128x128xf32, #tpu.memory_space<hbm>>
      %dma_start3A_220 = tpu.memref_squeeze %dma_start3A_219 : memref<1x128x128xf32, #tpu.memory_space<hbm>> -> memref<128x128xf32, #tpu.memory_space<hbm>>
      %dma_start3A_221 = arith.constant 0 : i32
      %dma_start3A_222 = arith.constant 0 : i32
      %dma_start3A_223 = tpu.memref_slice %arg6[%dma_start3A_207, %dma_start3A_221, %dma_start3A_222] : memref<4x128x128xf32, #tpu.memory_space<vmem>> -> memref<1x128x128xf32, #tpu.memory_space<vmem>>
      %dma_start3A_224 = tpu.memref_squeeze %dma_start3A_223 : memref<1x128x128xf32, #tpu.memory_space<vmem>> -> memref<128x128xf32, #tpu.memory_space<vmem>>
      tpu.enqueue_dma source(%dma_start3A_224 : memref<128x128xf32, #tpu.memory_space<vmem>>) target(%dma_start3A_220 : memref<128x128xf32, #tpu.memory_space<hbm>>) target_semaphore(%dma_start3A_217 : memref<!tpu.dma_semaphore, #tpu.memory_space<semaphore_mem>>)
      %add3A_225 = arith.constant 384 : i32
      %add3A_226 = arith.addi %mul3A_2, %add3A_225 : i32
      %dma_start3A_227 = arith.constant 3 : i32
      %dma_start3A_228 = arith.constant 3 : i32
      %dma_start3A_229 = arith.constant 0 : i32
      %dma_start3A_230 = arith.constant 0 : i32
      %dma_start3A_231 = tpu.memref_slice %arg6[%dma_start3A_227, %dma_start3A_229, %dma_start3A_230] : memref<4x128x128xf32, #tpu.memory_space<vmem>> -> memref<1x128x128xf32, #tpu.memory_space<vmem>>
      %dma_start3A_232 = tpu.memref_squeeze %dma_start3A_231 : memref<1x128x128xf32, #tpu.memory_space<vmem>> -> memref<128x128xf32, #tpu.memory_space<vmem>>
      %dma_start3A_233 = arith.constant 0 : i32
      %dma_start3A_234 = tpu.memref_slice %arg4[%scan3A_78, %add3A_226, %dma_start3A_233] : memref<50x16384x128xf32, #tpu.memory_space<hbm>> -> memref<1x128x128xf32, #tpu.memory_space<hbm>>
      %dma_start3A_235 = tpu.memref_squeeze %dma_start3A_234 : memref<1x128x128xf32, #tpu.memory_space<hbm>> -> memref<128x128xf32, #tpu.memory_space<hbm>>
      %dma_start3A_236 = tpu.memref_slice %arg8[%dma_start3A_228] : memref<4x!tpu.dma_semaphore, #tpu.memory_space<semaphore_mem>> -> memref<1x!tpu.dma_semaphore, #tpu.memory_space<semaphore_mem>>
      %dma_start3A_237 = tpu.memref_squeeze %dma_start3A_236 : memref<1x!tpu.dma_semaphore, #tpu.memory_space<semaphore_mem>> -> memref<!tpu.dma_semaphore, #tpu.memory_space<semaphore_mem>>
      %dma_start3A_238 = arith.constant 0 : i32
      %dma_start3A_239 = tpu.memref_slice %arg4[%scan3A_78, %add3A_226, %dma_start3A_238] : memref<50x16384x128xf32, #tpu.memory_space<hbm>> -> memref<1x128x128xf32, #tpu.memory_space<hbm>>
      %dma_start3A_240 = tpu.memref_squeeze %dma_start3A_239 : memref<1x128x128xf32, #tpu.memory_space<hbm>> -> memref<128x128xf32, #tpu.memory_space<hbm>>
      %dma_start3A_241 = arith.constant 0 : i32
      %dma_start3A_242 = arith.constant 0 : i32
      %dma_start3A_243 = tpu.memref_slice %arg6[%dma_start3A_227, %dma_start3A_241, %dma_start3A_242] : memref<4x128x128xf32, #tpu.memory_space<vmem>> -> memref<1x128x128xf32, #tpu.memory_space<vmem>>
      %dma_start3A_244 = tpu.memref_squeeze %dma_start3A_243 : memref<1x128x128xf32, #tpu.memory_space<vmem>> -> memref<128x128xf32, #tpu.memory_space<vmem>>
      tpu.enqueue_dma source(%dma_start3A_244 : memref<128x128xf32, #tpu.memory_space<vmem>>) target(%dma_start3A_240 : memref<128x128xf32, #tpu.memory_space<hbm>>) target_semaphore(%dma_start3A_237 : memref<!tpu.dma_semaphore, #tpu.memory_space<semaphore_mem>>)
      %add3A_245 = arith.constant 0 : i32
      %add3A_246 = arith.addi %mul3A_2, %add3A_245 : i32
      %dma_wait3A_247 = arith.constant 0 : i32
      %dma_wait3A_248 = arith.constant 0 : i32
      %dma_wait3A_249 = arith.constant 0 : i32
      %dma_wait3A_250 = arith.constant 0 : i32
      %dma_wait3A_251 = tpu.memref_slice %arg6[%dma_wait3A_247, %dma_wait3A_249, %dma_wait3A_250] : memref<4x128x128xf32, #tpu.memory_space<vmem>> -> memref<1x128x128xf32, #tpu.memory_space<vmem>>
      %dma_wait3A_252 = tpu.memref_squeeze %dma_wait3A_251 : memref<1x128x128xf32, #tpu.memory_space<vmem>> -> memref<128x128xf32, #tpu.memory_space<vmem>>
      %dma_wait3A_253 = arith.constant 0 : i32
      %dma_wait3A_254 = tpu.memref_slice %arg4[%scan3A_78, %add3A_246, %dma_wait3A_253] : memref<50x16384x128xf32, #tpu.memory_space<hbm>> -> memref<1x128x128xf32, #tpu.memory_space<hbm>>
      %dma_wait3A_255 = tpu.memref_squeeze %dma_wait3A_254 : memref<1x128x128xf32, #tpu.memory_space<hbm>> -> memref<128x128xf32, #tpu.memory_space<hbm>>
      %dma_wait3A_256 = tpu.memref_slice %arg8[%dma_wait3A_248] : memref<4x!tpu.dma_semaphore, #tpu.memory_space<semaphore_mem>> -> memref<1x!tpu.dma_semaphore, #tpu.memory_space<semaphore_mem>>
      %dma_wait3A_257 = tpu.memref_squeeze %dma_wait3A_256 : memref<1x!tpu.dma_semaphore, #tpu.memory_space<semaphore_mem>> -> memref<!tpu.dma_semaphore, #tpu.memory_space<semaphore_mem>>
      %dma_wait3A_258 = arith.constant 0 : i32
      %dma_wait3A_259 = tpu.memref_slice %arg4[%scan3A_78, %add3A_246, %dma_wait3A_258] : memref<50x16384x128xf32, #tpu.memory_space<hbm>> -> memref<1x128x128xf32, #tpu.memory_space<hbm>>
      %dma_wait3A_260 = tpu.memref_squeeze %dma_wait3A_259 : memref<1x128x128xf32, #tpu.memory_space<hbm>> -> memref<128x128xf32, #tpu.memory_space<hbm>>
      %dma_wait3A_261 = arith.constant 0 : i32
      %dma_wait3A_262 = arith.constant 0 : i32
      %dma_wait3A_263 = tpu.memref_slice %arg6[%dma_wait3A_247, %dma_wait3A_261, %dma_wait3A_262] : memref<4x128x128xf32, #tpu.memory_space<vmem>> -> memref<1x128x128xf32, #tpu.memory_space<vmem>>
      %dma_wait3A_264 = tpu.memref_squeeze %dma_wait3A_263 : memref<1x128x128xf32, #tpu.memory_space<vmem>> -> memref<128x128xf32, #tpu.memory_space<vmem>>
      tpu.wait_dma2 semaphore(%dma_wait3A_257 : memref<!tpu.dma_semaphore, #tpu.memory_space<semaphore_mem>>) src(%dma_wait3A_264 : memref<128x128xf32, #tpu.memory_space<vmem>>) dst(%dma_wait3A_260 : memref<128x128xf32, #tpu.memory_space<hbm>>)
      %add3A_265 = arith.constant 128 : i32
      %add3A_266 = arith.addi %mul3A_2, %add3A_265 : i32
      %dma_wait3A_267 = arith.constant 1 : i32
      %dma_wait3A_268 = arith.constant 1 : i32
      %dma_wait3A_269 = arith.constant 0 : i32
      %dma_wait3A_270 = arith.constant 0 : i32
      %dma_wait3A_271 = tpu.memref_slice %arg6[%dma_wait3A_267, %dma_wait3A_269, %dma_wait3A_270] : memref<4x128x128xf32, #tpu.memory_space<vmem>> -> memref<1x128x128xf32, #tpu.memory_space<vmem>>
      %dma_wait3A_272 = tpu.memref_squeeze %dma_wait3A_271 : memref<1x128x128xf32, #tpu.memory_space<vmem>> -> memref<128x128xf32, #tpu.memory_space<vmem>>
      %dma_wait3A_273 = arith.constant 0 : i32
      %dma_wait3A_274 = tpu.memref_slice %arg4[%scan3A_78, %add3A_266, %dma_wait3A_273] : memref<50x16384x128xf32, #tpu.memory_space<hbm>> -> memref<1x128x128xf32, #tpu.memory_space<hbm>>
      %dma_wait3A_275 = tpu.memref_squeeze %dma_wait3A_274 : memref<1x128x128xf32, #tpu.memory_space<hbm>> -> memref<128x128xf32, #tpu.memory_space<hbm>>
      %dma_wait3A_276 = tpu.memref_slice %arg8[%dma_wait3A_268] : memref<4x!tpu.dma_semaphore, #tpu.memory_space<semaphore_mem>> -> memref<1x!tpu.dma_semaphore, #tpu.memory_space<semaphore_mem>>
      %dma_wait3A_277 = tpu.memref_squeeze %dma_wait3A_276 : memref<1x!tpu.dma_semaphore, #tpu.memory_space<semaphore_mem>> -> memref<!tpu.dma_semaphore, #tpu.memory_space<semaphore_mem>>
      %dma_wait3A_278 = arith.constant 0 : i32
      %dma_wait3A_279 = tpu.memref_slice %arg4[%scan3A_78, %add3A_266, %dma_wait3A_278] : memref<50x16384x128xf32, #tpu.memory_space<hbm>> -> memref<1x128x128xf32, #tpu.memory_space<hbm>>
      %dma_wait3A_280 = tpu.memref_squeeze %dma_wait3A_279 : memref<1x128x128xf32, #tpu.memory_space<hbm>> -> memref<128x128xf32, #tpu.memory_space<hbm>>
      %dma_wait3A_281 = arith.constant 0 : i32
      %dma_wait3A_282 = arith.constant 0 : i32
      %dma_wait3A_283 = tpu.memref_slice %arg6[%dma_wait3A_267, %dma_wait3A_281, %dma_wait3A_282] : memref<4x128x128xf32, #tpu.memory_space<vmem>> -> memref<1x128x128xf32, #tpu.memory_space<vmem>>
      %dma_wait3A_284 = tpu.memref_squeeze %dma_wait3A_283 : memref<1x128x128xf32, #tpu.memory_space<vmem>> -> memref<128x128xf32, #tpu.memory_space<vmem>>
      tpu.wait_dma2 semaphore(%dma_wait3A_277 : memref<!tpu.dma_semaphore, #tpu.memory_space<semaphore_mem>>) src(%dma_wait3A_284 : memref<128x128xf32, #tpu.memory_space<vmem>>) dst(%dma_wait3A_280 : memref<128x128xf32, #tpu.memory_space<hbm>>)
      %add3A_285 = arith.constant 1 : i32
      %add3A_286 = arith.addi %scan3A_78, %add3A_285 : i32
      %lt3A = arith.constant 50 : i32
      %lt3A_287 = arith.cmpi slt, %add3A_286, %lt3A : i32
      %convert_element_type3A_288 = arith.extui %lt3A_287 : i1 to i32
      %cond3A_289 = arith.constant 0 : i32
      %cond3A_290 = arith.cmpi ne, %convert_element_type3A_288, %cond3A_289 : i32
      scf.if %cond3A_290 {
        %add3A_291 = arith.constant 1 : i32
        %add3A_292 = arith.addi %scan3A_78, %add3A_291 : i32
        %dma_start3A_293 = arith.constant 0 : i32
        %dma_start3A_294 = arith.constant 0 : i32
        %dma_start3A_295 = arith.constant 0 : i32
        %dma_start3A_296 = arith.constant 0 : i32
        %dma_start3A_297 = tpu.memref_slice %arg6[%dma_start3A_293, %dma_start3A_295, %dma_start3A_296] : memref<4x128x128xf32, #tpu.memory_space<vmem>> -> memref<1x128x128xf32, #tpu.memory_space<vmem>>
        %dma_start3A_298 = tpu.memref_squeeze %dma_start3A_297 : memref<1x128x128xf32, #tpu.memory_space<vmem>> -> memref<128x128xf32, #tpu.memory_space<vmem>>
        %dma_start3A_299 = arith.constant 0 : i32
        %dma_start3A_300 = tpu.memref_slice %arg5[%add3A_292, %dma_start3A_299] : memref<50x512xi32, #tpu.memory_space<vmem>> -> memref<1x128xi32, #tpu.memory_space<vmem>>
        %dma_start3A_301 = tpu.memref_squeeze %dma_start3A_300 : memref<1x128xi32, #tpu.memory_space<vmem>> -> memref<128xi32, #tpu.memory_space<vmem>>
        %dma_start3A_302 = arith.constant 0 : i32
        %dma_start3A_303 = arith.constant 0 : i32
        %dma_start3A_304 = tpu.memref_slice %arg2[%dma_start3A_302, %dma_start3A_303] : memref<100000x128xf32, #tpu.memory_space<hbm>> -> memref<100000x128xf32, #tpu.memory_space<hbm>>
        %dma_start3A_305 = tpu.memref_slice %arg7[%dma_start3A_294] : memref<4x!tpu.dma_semaphore, #tpu.memory_space<semaphore_mem>> -> memref<1x!tpu.dma_semaphore, #tpu.memory_space<semaphore_mem>>
        %dma_start3A_306 = tpu.memref_squeeze %dma_start3A_305 : memref<1x!tpu.dma_semaphore, #tpu.memory_space<semaphore_mem>> -> memref<!tpu.dma_semaphore, #tpu.memory_space<semaphore_mem>>
        tpu.enqueue_indirect_dma source(%dma_start3A_304 : memref<100000x128xf32, #tpu.memory_space<hbm>>) target(%dma_start3A_298 : memref<128x128xf32, #tpu.memory_space<vmem>>) offsets(%dma_start3A_301 : memref<128xi32, #tpu.memory_space<vmem>>) semaphore(%dma_start3A_306 : memref<!tpu.dma_semaphore, #tpu.memory_space<semaphore_mem>>)
        %add3A_307 = arith.constant 1 : i32
        %add3A_308 = arith.addi %scan3A_78, %add3A_307 : i32
        %dma_start3A_309 = arith.constant 1 : i32
        %dma_start3A_310 = arith.constant 1 : i32
        %dma_start3A_311 = arith.constant 0 : i32
        %dma_start3A_312 = arith.constant 0 : i32
        %dma_start3A_313 = tpu.memref_slice %arg6[%dma_start3A_309, %dma_start3A_311, %dma_start3A_312] : memref<4x128x128xf32, #tpu.memory_space<vmem>> -> memref<1x128x128xf32, #tpu.memory_space<vmem>>
        %dma_start3A_314 = tpu.memref_squeeze %dma_start3A_313 : memref<1x128x128xf32, #tpu.memory_space<vmem>> -> memref<128x128xf32, #tpu.memory_space<vmem>>
        %dma_start3A_315 = arith.constant 128 : i32
        %dma_start3A_316 = tpu.memref_slice %arg5[%add3A_308, %dma_start3A_315] : memref<50x512xi32, #tpu.memory_space<vmem>> -> memref<1x128xi32, #tpu.memory_space<vmem>>
        %dma_start3A_317 = tpu.memref_squeeze %dma_start3A_316 : memref<1x128xi32, #tpu.memory_space<vmem>> -> memref<128xi32, #tpu.memory_space<vmem>>
        %dma_start3A_318 = arith.constant 0 : i32
        %dma_start3A_319 = arith.constant 0 : i32
        %dma_start3A_320 = tpu.memref_slice %arg2[%dma_start3A_318, %dma_start3A_319] : memref<100000x128xf32, #tpu.memory_space<hbm>> -> memref<100000x128xf32, #tpu.memory_space<hbm>>
        %dma_start3A_321 = tpu.memref_slice %arg7[%dma_start3A_310] : memref<4x!tpu.dma_semaphore, #tpu.memory_space<semaphore_mem>> -> memref<1x!tpu.dma_semaphore, #tpu.memory_space<semaphore_mem>>
        %dma_start3A_322 = tpu.memref_squeeze %dma_start3A_321 : memref<1x!tpu.dma_semaphore, #tpu.memory_space<semaphore_mem>> -> memref<!tpu.dma_semaphore, #tpu.memory_space<semaphore_mem>>
        tpu.enqueue_indirect_dma source(%dma_start3A_320 : memref<100000x128xf32, #tpu.memory_space<hbm>>) target(%dma_start3A_314 : memref<128x128xf32, #tpu.memory_space<vmem>>) offsets(%dma_start3A_317 : memref<128xi32, #tpu.memory_space<vmem>>) semaphore(%dma_start3A_322 : memref<!tpu.dma_semaphore, #tpu.memory_space<semaphore_mem>>)
      } else {
      }
    }
    %scan3A_36 = arith.constant 50 : i32
    %add3A_37 = arith.constant 256 : i32
    %add3A_38 = arith.addi %mul3A_2, %add3A_37 : i32
    %dma_wait3A = arith.constant 2 : i32
    %dma_wait3A_39 = arith.constant 49 : i32
    %dma_wait3A_40 = arith.constant 2 : i32
    %dma_wait3A_41 = arith.constant 0 : i32
    %dma_wait3A_42 = arith.constant 0 : i32
    %dma_wait3A_43 = tpu.memref_slice %arg6[%dma_wait3A, %dma_wait3A_41, %dma_wait3A_42] : memref<4x128x128xf32, #tpu.memory_space<vmem>> -> memref<1x128x128xf32, #tpu.memory_space<vmem>>
    %dma_wait3A_44 = tpu.memref_squeeze %dma_wait3A_43 : memref<1x128x128xf32, #tpu.memory_space<vmem>> -> memref<128x128xf32, #tpu.memory_space<vmem>>
    %dma_wait3A_45 = arith.constant 0 : i32
    %dma_wait3A_46 = tpu.memref_slice %arg4[%dma_wait3A_39, %add3A_38, %dma_wait3A_45] : memref<50x16384x128xf32, #tpu.memory_space<hbm>> -> memref<1x128x128xf32, #tpu.memory_space<hbm>>
    %dma_wait3A_47 = tpu.memref_squeeze %dma_wait3A_46 : memref<1x128x128xf32, #tpu.memory_space<hbm>> -> memref<128x128xf32, #tpu.memory_space<hbm>>
    %dma_wait3A_48 = tpu.memref_slice %arg8[%dma_wait3A_40] : memref<4x!tpu.dma_semaphore, #tpu.memory_space<semaphore_mem>> -> memref<1x!tpu.dma_semaphore, #tpu.memory_space<semaphore_mem>>
    %dma_wait3A_49 = tpu.memref_squeeze %dma_wait3A_48 : memref<1x!tpu.dma_semaphore, #tpu.memory_space<semaphore_mem>> -> memref<!tpu.dma_semaphore, #tpu.memory_space<semaphore_mem>>
    %dma_wait3A_50 = arith.constant 0 : i32
    %dma_wait3A_51 = tpu.memref_slice %arg4[%dma_wait3A_39, %add3A_38, %dma_wait3A_50] : memref<50x16384x128xf32, #tpu.memory_space<hbm>> -> memref<1x128x128xf32, #tpu.memory_space<hbm>>
    %dma_wait3A_52 = tpu.memref_squeeze %dma_wait3A_51 : memref<1x128x128xf32, #tpu.memory_space<hbm>> -> memref<128x128xf32, #tpu.memory_space<hbm>>
    %dma_wait3A_53 = arith.constant 0 : i32
    %dma_wait3A_54 = arith.constant 0 : i32
    %dma_wait3A_55 = tpu.memref_slice %arg6[%dma_wait3A, %dma_wait3A_53, %dma_wait3A_54] : memref<4x128x128xf32, #tpu.memory_space<vmem>> -> memref<1x128x128xf32, #tpu.memory_space<vmem>>
    %dma_wait3A_56 = tpu.memref_squeeze %dma_wait3A_55 : memref<1x128x128xf32, #tpu.memory_space<vmem>> -> memref<128x128xf32, #tpu.memory_space<vmem>>
    tpu.wait_dma2 semaphore(%dma_wait3A_49 : memref<!tpu.dma_semaphore, #tpu.memory_space<semaphore_mem>>) src(%dma_wait3A_56 : memref<128x128xf32, #tpu.memory_space<vmem>>) dst(%dma_wait3A_52 : memref<128x128xf32, #tpu.memory_space<hbm>>)
    %add3A_57 = arith.constant 384 : i32
    %add3A_58 = arith.addi %mul3A_2, %add3A_57 : i32
    %dma_wait3A_59 = arith.constant 3 : i32
    %dma_wait3A_60 = arith.constant 49 : i32
    %dma_wait3A_61 = arith.constant 3 : i32
    %dma_wait3A_62 = arith.constant 0 : i32
    %dma_wait3A_63 = arith.constant 0 : i32
    %dma_wait3A_64 = tpu.memref_slice %arg6[%dma_wait3A_59, %dma_wait3A_62, %dma_wait3A_63] : memref<4x128x128xf32, #tpu.memory_space<vmem>> -> memref<1x128x128xf32, #tpu.memory_space<vmem>>
    %dma_wait3A_65 = tpu.memref_squeeze %dma_wait3A_64 : memref<1x128x128xf32, #tpu.memory_space<vmem>> -> memref<128x128xf32, #tpu.memory_space<vmem>>
    %dma_wait3A_66 = arith.constant 0 : i32
    %dma_wait3A_67 = tpu.memref_slice %arg4[%dma_wait3A_60, %add3A_58, %dma_wait3A_66] : memref<50x16384x128xf32, #tpu.memory_space<hbm>> -> memref<1x128x128xf32, #tpu.memory_space<hbm>>
    %dma_wait3A_68 = tpu.memref_squeeze %dma_wait3A_67 : memref<1x128x128xf32, #tpu.memory_space<hbm>> -> memref<128x128xf32, #tpu.memory_space<hbm>>
    %dma_wait3A_69 = tpu.memref_slice %arg8[%dma_wait3A_61] : memref<4x!tpu.dma_semaphore, #tpu.memory_space<semaphore_mem>> -> memref<1x!tpu.dma_semaphore, #tpu.memory_space<semaphore_mem>>
    %dma_wait3A_70 = tpu.memref_squeeze %dma_wait3A_69 : memref<1x!tpu.dma_semaphore, #tpu.memory_space<semaphore_mem>> -> memref<!tpu.dma_semaphore, #tpu.memory_space<semaphore_mem>>
    %dma_wait3A_71 = arith.constant 0 : i32
    %dma_wait3A_72 = tpu.memref_slice %arg4[%dma_wait3A_60, %add3A_58, %dma_wait3A_71] : memref<50x16384x128xf32, #tpu.memory_space<hbm>> -> memref<1x128x128xf32, #tpu.memory_space<hbm>>
    %dma_wait3A_73 = tpu.memref_squeeze %dma_wait3A_72 : memref<1x128x128xf32, #tpu.memory_space<hbm>> -> memref<128x128xf32, #tpu.memory_space<hbm>>
    %dma_wait3A_74 = arith.constant 0 : i32
    %dma_wait3A_75 = arith.constant 0 : i32
    %dma_wait3A_76 = tpu.memref_slice %arg6[%dma_wait3A_59, %dma_wait3A_74, %dma_wait3A_75] : memref<4x128x128xf32, #tpu.memory_space<vmem>> -> memref<1x128x128xf32, #tpu.memory_space<vmem>>
    %dma_wait3A_77 = tpu.memref_squeeze %dma_wait3A_76 : memref<1x128x128xf32, #tpu.memory_space<vmem>> -> memref<128x128xf32, #tpu.memory_space<vmem>>
    tpu.wait_dma2 semaphore(%dma_wait3A_70 : memref<!tpu.dma_semaphore, #tpu.memory_space<semaphore_mem>>) src(%dma_wait3A_77 : memref<128x128xf32, #tpu.memory_space<vmem>>) dst(%dma_wait3A_73 : memref<128x128xf32, #tpu.memory_space<hbm>>)
    return
  }
}

module attributes {stable_mosaic.version = 14 : i64} {
  func.func @_mlp_body(%arg0: i32, %arg1: memref<2000x64xf32, #tpu.memory_space<vmem>>, %arg2: memref<64x128xf32, #tpu.memory_space<vmem>>, %arg3: memref<1x128xf32, #tpu.memory_space<vmem>>, %arg4: memref<128x128xf32, #tpu.memory_space<vmem>>, %arg5: memref<1x128xf32, #tpu.memory_space<vmem>>, %arg6: memref<2000x128xf32, #tpu.memory_space<vmem>>) attributes {dimension_semantics = [#tpu.dimension_semantics<arbitrary>], iteration_bounds = array<i64: 50>, scalar_prefetch = 0 : i64, scratch_operands = 0 : i64, tpu.core_type = #tpu.core_type<tc>, window_params = [{transform_indices = @transform_0, window_bounds = array<i64: 2000, 64>}, {pipeline_mode = #tpu.pipeline_mode<synchronous>, transform_indices = @transform_1, window_bounds = array<i64: 64, 128>}, {pipeline_mode = #tpu.pipeline_mode<synchronous>, transform_indices = @transform_2, window_bounds = array<i64: 1, 128>}, {pipeline_mode = #tpu.pipeline_mode<synchronous>, transform_indices = @transform_3, window_bounds = array<i64: 128, 128>}, {pipeline_mode = #tpu.pipeline_mode<synchronous>, transform_indices = @transform_4, window_bounds = array<i64: 1, 128>}, {transform_indices = @transform_5, window_bounds = array<i64: 2000, 128>}]} {
    %get3A = arith.constant 0 : index
    %get3A_0 = arith.constant 0 : index
    %get3A_1 = vector.load %arg1[%get3A, %get3A_0] : memref<2000x64xf32, #tpu.memory_space<vmem>>, vector<2000x64xf32>
    %iota3A = tpu.iota {dimensions = array<i32: 0>} : vector<2000x1xi32>
    %eq3A = arith.constant 0 : i32
    %eq3A_2 = vector.broadcast %eq3A : i32 to vector<2000x1xi32>
    %eq3A_3 = arith.cmpi eq, %iota3A, %eq3A_2 : vector<2000x1xi32>
    %eq3A_4 = arith.constant 0 : i32
    %eq3A_5 = arith.cmpi eq, %arg0, %eq3A_4 : i32
    %and3A = vector.broadcast %eq3A_5 : i1 to vector<2000x1xi1>
    %and3A_6 = arith.andi %eq3A_3, %and3A : vector<2000x1xi1>
    %jit3A = arith.constant 0.000000e+00 : f32
    %broadcast_in_dim3A = vector.shape_cast %and3A_6 : vector<2000x1xi1> to vector<2000x1xi1>
    %broadcast_in_dim3A_7 = vector.broadcast %broadcast_in_dim3A : vector<2000x1xi1> to vector<2000x64xi1>
    %broadcast_in_dim3A_8 = vector.broadcast %jit3A : f32 to vector<2000x64xf32>
    %select_n3A = arith.select %broadcast_in_dim3A_7, %broadcast_in_dim3A_8, %get3A_1 : vector<2000x64xi1>, vector<2000x64xf32>
    %get3A_9 = arith.constant 0 : index
    %get3A_10 = arith.constant 0 : index
    %get3A_11 = vector.load %arg2[%get3A_9, %get3A_10] : memref<64x128xf32, #tpu.memory_space<vmem>>, vector<64x128xf32>
    %dot_general3A = arith.constant dense<0.000000e+00> : vector<2000x128xf32>
    %dot_general3A_12 = tpu.matmul %select_n3A, %get3A_11, %dot_general3A {dimension_numbers = #tpu.dot_dimension_numbers<[1], [0], [0], [1], [0, 0, 1, 1], [], []>, transpose_lhs_hint = false} : vector<2000x64xf32>, vector<64x128xf32>, vector<2000x128xf32> -> vector<2000x128xf32>
    %get3A_13 = arith.constant 0 : index
    %get3A_14 = arith.constant 0 : index
    %get3A_15 = vector.load %arg3[%get3A_13, %get3A_14] : memref<1x128xf32, #tpu.memory_space<vmem>>, vector<1x128xf32>
    %add3A = vector.broadcast %get3A_15 : vector<1x128xf32> to vector<2000x128xf32>
    %add3A_16 = arith.addf %dot_general3A_12, %add3A : vector<2000x128xf32>
    %mul3A = arith.constant 5.000000e-01 : f32
    %mul3A_17 = vector.broadcast %mul3A : f32 to vector<2000x128xf32>
    %mul3A_18 = arith.mulf %mul3A_17, %add3A_16 : vector<2000x128xf32>
    %mul3A_19 = arith.constant 0.707106769 : f32
    %mul3A_20 = vector.broadcast %mul3A_19 : f32 to vector<2000x128xf32>
    %mul3A_21 = arith.mulf %add3A_16, %mul3A_20 : vector<2000x128xf32>
    %erf3A = math.erf %mul3A_21 : vector<2000x128xf32>
    %add3A_22 = arith.constant 1.000000e+00 : f32
    %add3A_23 = vector.broadcast %add3A_22 : f32 to vector<2000x128xf32>
    %add3A_24 = arith.addf %add3A_23, %erf3A : vector<2000x128xf32>
    %mul3A_25 = arith.mulf %mul3A_18, %add3A_24 : vector<2000x128xf32>
    %get3A_26 = arith.constant 0 : index
    %get3A_27 = arith.constant 0 : index
    %get3A_28 = vector.load %arg4[%get3A_26, %get3A_27] : memref<128x128xf32, #tpu.memory_space<vmem>>, vector<128x128xf32>
    %dot_general3A_29 = arith.constant dense<0.000000e+00> : vector<2000x128xf32>
    %dot_general3A_30 = tpu.matmul %mul3A_25, %get3A_28, %dot_general3A_29 {dimension_numbers = #tpu.dot_dimension_numbers<[1], [0], [0], [1], [0, 0, 1, 1], [], []>, transpose_lhs_hint = false} : vector<2000x128xf32>, vector<128x128xf32>, vector<2000x128xf32> -> vector<2000x128xf32>
    %get3A_31 = arith.constant 0 : index
    %get3A_32 = arith.constant 0 : index
    %get3A_33 = vector.load %arg5[%get3A_31, %get3A_32] : memref<1x128xf32, #tpu.memory_space<vmem>>, vector<1x128xf32>
    %add3A_34 = vector.broadcast %get3A_33 : vector<1x128xf32> to vector<2000x128xf32>
    %add3A_35 = arith.addf %dot_general3A_30, %add3A_34 : vector<2000x128xf32>
    %swap3A = arith.constant 0 : index
    %swap3A_36 = arith.constant 0 : index
    %swap3A_37 = vector.load %arg6[%swap3A, %swap3A_36] : memref<2000x128xf32, #tpu.memory_space<vmem>>, vector<2000x128xf32>
    tpu.vector_store %arg6[%swap3A, %swap3A_36], %add3A_35 {strides = array<i32>} : memref<2000x128xf32, #tpu.memory_space<vmem>>, vector<2000x128xf32>,
    return
  }
  func.func @transform_0(%arg0: i32) -> (i32, i32) {
    %c0_i32 = arith.constant 0 : i32
    %c0_i32_0 = arith.constant 0 : i32
    return %arg0, %c0_i32 : i32, i32
  }
  func.func @transform_1(%arg0: i32) -> (i32, i32) {
    %c0_i32 = arith.constant 0 : i32
    %c0_i32_0 = arith.constant 0 : i32
    %c0_i32_1 = arith.constant 0 : i32
    return %c0_i32, %c0_i32_0 : i32, i32
  }
  func.func @transform_2(%arg0: i32) -> (i32, i32) {
    %c0_i32 = arith.constant 0 : i32
    %c0_i32_0 = arith.constant 0 : i32
    %c0_i32_1 = arith.constant 0 : i32
    return %c0_i32, %c0_i32_0 : i32, i32
  }
  func.func @transform_3(%arg0: i32) -> (i32, i32) {
    %c0_i32 = arith.constant 0 : i32
    %c0_i32_0 = arith.constant 0 : i32
    %c0_i32_1 = arith.constant 0 : i32
    return %c0_i32, %c0_i32_0 : i32, i32
  }
  func.func @transform_4(%arg0: i32) -> (i32, i32) {
    %c0_i32 = arith.constant 0 : i32
    %c0_i32_0 = arith.constant 0 : i32
    %c0_i32_1 = arith.constant 0 : i32
    return %c0_i32, %c0_i32_0 : i32, i32
  }
  func.func @transform_5(%arg0: i32) -> (i32, i32) {
    %c0_i32 = arith.constant 0 : i32
    %c0_i32_0 = arith.constant 0 : i32
    return %arg0, %c0_i32 : i32, i32
  }
}

</mosaic_0001>

<sc_bundles>
// kernel: kernel.4.cloned.1.call-start
scs
__scs_entry_jumppad:
0x0: {  	(pc) =	sbr.rel $0x88, $3  }
0x1: {  	(tag) =	ssettag $0x0;
	lr =	simm.s32 $0x1  }
0x2: {  	[smem:$0x3F9B] =	sst lr;
	_ =	strace $0xD0000000  }
0x3: {  	_ = 	snop  }
0x4: {  	_ = 	snop  }
0x5: {  	_ = 	snop  }
0x6: {  	_ = 	snop  }
0x7: {  	_ = 	snop  }
__scs_overlays_trampoline_lowered:
0x8: {  	[smem:$0x3FAA] =	sst s0  }
0x9: {  	[smem:$0x3FAB] =	sst s1  }
0xa: {  	[smem:$0x3FAC] =	sst s2  }
0xb: {  	[smem:$0x3FAD] =	sst s3  }
0xc: {  	[smem:$0x3FAE] =	sst s4  }
0xd: {  	[smem:$0x3FAF] =	sst s5  }
0xe: {  	[smem:$0x3FB0] =	sst s6  }
0xf: {  	[smem:$0x3FB1] =	sst s7  }
0x10: {  	[smem:$0x3FB2] =	sst s8  }
0x11: {  	[smem:$0x3FB3] =	sst s9;
	s0 =	simm.s32 @!p0 $0x0  }
0x12: {  	s1 =	sld [smem:$0x3F99];
	s0 =	simm.s32 @p0 $0x1  }
0x13: {  	[smem:$0x3FB4] =	sst s0;
	s0 =	simm.s32 @!p1 $0x0  }
0x14: {  	s2 =	sld [smem:$0x3F98];
	s0 =	simm.s32 @p1 $0x1  }
0x15: {  	[smem:$0x3FB5] =	sst s0;
	s0 =	simm.s32 @!p2 $0x0  }
0x16: {  	s3 =	sld [smem:$0x3FDB];
	s0 =	simm.s32 @p2 $0x1  }
0x17: {  	s4 =	simm.s32 $0x1BF5;
	[smem:$0x3FB7] =	sst s0  }
0x18: {  	s0 =	sld [smem:$0x3F9A];
	_ =	swait.ge [sflag:s4], $0x0  }
0x19: {  	s7 =	sld [smem:$0x3F9B]  }
0x1a: {  	s8 =	sadd.s32 $0xFFFFE003, lr  }
0x1b: {  	s9 =	sadd.s32 $0xFFFFFEF7, lr;
	s5 =	simm.s32 $0xFFFFFFFF;
	p2 =	slt.u32 s8, $0xFFFFF086  }
0x1c: {  	p1 =	slt.u32 s9, $0xF7A;
	s5 =	simm.s32 @!p2 $0x0  }
0x1d: {  	s5 =	simm.s32 @p1 $0x1;
	p0 =	seq.s32 s7, s2  }
0x1e: {  	s7 =	smul.u32 @!p0 $0xF7A, s2;
	p2 =	seq.s32 @!p0 s5, $0x0  }
0x1f: {  	s9 =	smul.u32 $0xF7A, s1;
	s8 =	simm.s32 @!p0 $0x1BF5;
	p2 =	por !p2, p0  }
0x20: {  	[sflag:s8] =	ssyncset.s32 @!p0 $0xFFFFF086;
	s6 =	sadd.s32 @!p0 s3, s7;
	s7 =	simm.s32 @!p0 $0x108  }
0x21: {  	s3 =	sadd.s32 s3, s9;
	s6 =	sadd.s32 @!p0 $0x88, s6;
	s7 =	simm.s32 @p2 $0x1082  }
0x22: {  	[simem:s7], [sflag:s8] =	dma.local @!p0 [hbm:s6], $0xF7A  }
0x23: {  	s9 =	sor.u32 $0xD0000000, s2;
	s6 =	simm.s32 $0x108;
	_ =	swait.ge @!p0 [sflag:s8], $0x0  }
0x24: {  	s3 =	sadd.s32 $0x88, s3;
	s6 =	simm.s32 @!p1 $0x1082;
	[sflag:s4] =	ssyncset.s32 $0xFFFFF086  }
0x25: {  	[simem:s6], [sflag:s4] =	dma.local [hbm:s3], $0xF7A  }
0x26: {  	[smem:$0x3F9B] =	sst s1;
	(tag) =	ssettag s2;
	_ =	strace s9  }
0x27: {  	s1 =	sld [smem:$0x3FAB]  }
0x28: {  	s2 =	sld [smem:$0x3FAC]  }
0x29: {  	s4 =	sld [smem:$0x3FAE]  }
0x2a: {  	p0 =	seq.s32 s5, $0x0;
	s5 =	sld [smem:$0x3FAF]  }
0x2b: {  	s6 =	sld [smem:$0x3FB0]  }
0x2c: {  	s7 =	sld [smem:$0x3FB1]  }
0x2d: {  	s3 =	simm.s32 $0x108;
	s8 =	sld [smem:$0x3FB2]  }
0x2e: {  	s3 =	simm.s32 @!p0 $0x1082;
	s9 =	sld [smem:$0x3FB3]  }
0x2f: {  	lr =	sadd.s32 s0, s3;
	s0 =	sld [smem:$0x3FAA]  }
0x30: {  	s3 =	sld [smem:$0x3FAD]  }
0x31: {  	[smem:$0x3FB6] =	sst s10  }
0x32: {  	s10 =	sld [smem:$0x3FB4];
	_ =	sdelay $0x3  }
0x33: {  	p0 =	seq.s32 s10, $0x1;
	s10 =	sld [smem:$0x3FB6];
	_ =	sdelay $0x3  }
0x34: {  	[smem:$0x3FB6] =	sst s10  }
0x35: {  	s10 =	sld [smem:$0x3FB5];
	_ =	sdelay $0x3  }
0x36: {  	p1 =	seq.s32 s10, $0x1;
	s10 =	sld [smem:$0x3FB6];
	_ =	sdelay $0x3  }
0x37: {  	[smem:$0x3FB6] =	sst s10  }
0x38: {  	s10 =	sld [smem:$0x3FB7]  }
0x39: {  	_ = 	snop;
	(pc) =	sbr.ind lr, $3  }
0x3a: {  	_ = 	snop  }
0x3b: {  	_ = 	snop  }
0x3c: {  	p2 =	seq.s32 s10, $0x1;
	s10 =	sld [smem:$0x3FB6]  }
0x3d: {  	_ =	shalt  }
0x3e: {  	_ =	shalt  }
0x3f: {  	_ =	shalt  }
0x40: {  	_ =	shalt  }
0x41: {  	_ =	shalt  }
0x42: {  	_ =	shalt  }
0x43: {  	_ =	shalt  }
0x44: {  	_ =	shalt  }
0x45: {  	_ =	shalt  }
0x46: {  	_ =	shalt  }
0x47: {  	_ =	shalt  }
0x48: {  	_ =	shalt  }
0x49: {  	_ =	shalt  }
0x4a: {  	_ =	shalt  }
0x4b: {  	_ =	shalt  }
0x4c: {  	_ =	shalt  }
0x4d: {  	_ =	shalt  }
0x4e: {  	_ =	shalt  }
0x4f: {  	_ =	shalt  }
0x50: {  	_ =	shalt  }
0x51: {  	_ =	shalt  }
0x52: {  	_ =	shalt  }
0x53: {  	_ =	shalt  }
0x54: {  	_ =	shalt  }
0x55: {  	_ =	shalt  }
0x56: {  	_ =	shalt  }
0x57: {  	_ =	shalt  }
0x58: {  	_ =	shalt  }
0x59: {  	_ =	shalt  }
0x5a: {  	_ =	shalt  }
0x5b: {  	_ =	shalt  }
0x5c: {  	_ =	shalt  }
0x5d: {  	_ =	shalt  }
0x5e: {  	_ =	shalt  }
0x5f: {  	_ =	shalt  }
0x60: {  	_ =	shalt  }
0x61: {  	_ =	shalt  }
0x62: {  	_ =	shalt  }
0x63: {  	_ =	shalt  }
0x64: {  	_ =	shalt  }
0x65: {  	_ =	shalt  }
0x66: {  	_ =	shalt  }
0x67: {  	_ =	shalt  }
0x68: {  	_ =	shalt  }
0x69: {  	_ =	shalt  }
0x6a: {  	_ =	shalt  }
0x6b: {  	_ =	shalt  }
0x6c: {  	_ =	shalt  }
0x6d: {  	_ =	shalt  }
0x6e: {  	_ =	shalt  }
0x6f: {  	_ =	shalt  }
0x70: {  	_ =	shalt  }
0x71: {  	_ =	shalt  }
0x72: {  	_ =	shalt  }
0x73: {  	_ =	shalt  }
0x74: {  	_ =	shalt  }
0x75: {  	_ =	shalt  }
0x76: {  	_ =	shalt  }
0x77: {  	_ =	shalt  }
0x78: {  	_ =	shalt  }
0x79: {  	_ =	shalt  }
0x7a: {  	_ =	shalt  }
0x7b: {  	_ =	shalt  }
0x7c: {  	_ =	shalt  }
0x7d: {  	_ =	shalt  }
0x7e: {  	_ =	shalt  }
0x7f: {  	_ =	shalt  }
0x80: {  	_ =	shalt  }
0x81: {  	_ =	shalt  }
0x82: {  	_ =	shalt  }
0x83: {  	_ =	shalt  }
0x84: {  	_ =	shalt  }
0x85: {  	_ =	shalt  }
0x86: {  	_ =	shalt  }
0x87: {  	_ =	shalt  }
.Lfunc_end0:
.L_simem_size_0:
called_computation_lowered:
.L_overlay_start_0:
0x88: {  	s2 =	sld [smem:$0x3FD9]  }
0x89: {  	s3 =	sld [smem:$0x3FFE];
	_ =	sdelay $0x1  }
0x8a: {  	s1 =	srdreg.scid  }
0x8b: {  	s0 =	sand.u32 $0x1, s1  }
0x8c: {  	s17 =	sshll.u32 s0, $0xA;
	s2 =	sadd.s32 s3, s2  }
0x8d: {  	s2 =	sadd.s32 s2, s17  }
0x8e: {  	[smem:$0x3FC2] =	sst s2  }
0x8f: {  	_ = 	snop  }
0x90: {  	s2 =	sld [smem:$0x3FC9]  }
0x91: {  	s18 =	sld [smem:$0x3FD0];
	(tm) =	ssettm $0x1  }
0x92: {  	s4 =	sld [smem:$0x3FFB];
	_ =	sdelay $0x3  }
0x93: {  	_ =	strace s4  }
0x94: {  	s4 =	sld [smem:$0x3FFC];
	_ =	sdelay $0x3  }
0x95: {  	_ =	strace s4  }
0x96: {  	s4 =	sld [smem:$0x3FFD];
	_ =	sdelay $0x3  }
0x97: {  	_ =	strace s4  }
0x98: {  	_ =	strace $0x8FFFFFFF  }
0x99: {  	s19 =	sld [smem:$0x3FDB];
	_ =	sdelay $0x1  }
0x9a: {  	s5 =	simm.s32 $_scs_section_size  }
0x9b: {  	s6 =	simm.s32 $_size__tile_overlayer_lowered;
	s7 =	simm.s32 $_tile_overlayer_lowered  }
0x9c: {  	s22 =	simm.s32 $0x1BFF;
	s21 =	sshll.u32 s7, $0x1;
	s4 =	sadd.s32 s5, s19  }
0x9d: {  	s8 =	simm.s32 $0x0;
	s20 =	sshll.u32 s6, $0x1;
	s6 =	sadd.s32 s21, s4  }
0x9e: {  	[timem:s8], [sflag:s22] =	dma.local [hbm:s6], s20  }
0x9f: {  	_ =	swait.ge [sflag:s22], s20  }
0xa0: {  	s5 =	ssub.s32 $0x0, s20;
	[sflag:s22] =	ssyncset.done $0x0  }
0xa1: {  	[sflag:s22] =	ssyncadd.s32 s5;
	_ =	sdelay $0x1  }
0xa2: {  	s23 =	simm.s32 $0x1B8B  }
0xa3: {  	_ =	swait.ge [sflag:s23], $0x1  }
0xa4: {  	[sflag:s23] =	ssyncset.done $0x0  }
0xa5: {  	s25 =	simm.s32 $0x1B8E;
	s24 =	sld [smem:$0x3FFE];
	[sflag:s23] =	ssyncadd.s32 $0xFFFFFFFF  }
0xa6: {  	s26 =	simm.s32 $execute0_lowered;
	[smem:$0x3FD2] =	sst s25  }
0xa7: {  	s6 =	sshll.u32 s26, $0x1;
	_ =	strace $0x80000046;
	[dreg:$0x1] =	wrdreg $0xFFFFFFFF  }
0xa8: {  	s28 =	simm.s32 $_size_execute0_lowered;
	s4 =	sadd.s32 s4, s6;
	[dreg:$0x0] =	wrdreg $0x0  }
0xa9: {  	s6 =	sshll.u32 s28, $0x1;
	[dreg:$0x2] =	wrdreg s4  }
0xaa: {  	[dreg:$0x3] =	wrdreg s6  }
0xab: {  	[dreg:$0x4] =	wrdreg $0xC0  }
0xac: {  	_ =	task [dreg:s8], $0x5FFFF  }
0xad: {  	[dreg:$0x1] =	wrdreg $0xFFFFFFFF  }
0xae: {  	[dreg:$0x0] =	wrdreg $0x60  }
0xaf: {  	[dreg:$0x2] =	wrdreg s24  }
0xb0: {  	[dreg:$0x3] =	wrdreg s2  }
0xb1: {  	[dreg:$0x4] =	wrdreg s18  }
0xb2: {  	[dreg:$0x5] =	wrdreg $0x9  }
0xb3: {  	_ =	task.clear_ibuf [dreg:s8], $0x6FFFF;
	_ =	strace $0x90000046  }
0xb4: {  	s29 =	simm.s32 $0x9;
	_ =	strace $0x80000048  }
0xb5: {  	_ =	swait.ge [sflag:s29], $0x1  }
0xb6: {  	[sflag:s29] =	ssyncadd.s32 $0xFFFFFFFF  }
0xb7: {  	_ =	strace $0x90000048  }
0xb8: {  	_ =	sfence  }
0xb9: {  	s30 =	sld [smem:$0x0];
	_ =	sdelay $0x2  }
0xba: {  	s31 =	sshll.u32 s1, $0xD;
	s1 =	sshrl.u32 s1, $0x2  }
0xbb: {  	s3 =	sand.u32 $0x4000, s31;
	s1 =	sadd.s32 s1, s30  }
0xbc: {  	s0 =	sor.u32 s3, s0;
	s1 =	sshll.u32 s1, $0x11  }
0xbd: {  	s0 =	sor.u32 s1, s0  }
0xbe: {  	s0 =	sadd.s32 $0x8F2B, s0  }
0xbf: {  	[sflag:s0] =	ssyncadd.remote.s32 $0x1  }
0xc0: {  	_ =	sfence.sel $0xFFFF  }
0xc1: {  	[dreg:$0x0] =	wrdreg $0xFFFFFFFF;
	(pc) =	sbr.abs _section_cstart, $3  }
0xc2: {  	[dreg:$0x1] =	wrdreg $0xFFFFFFFF  }
0xc3: {  	_ =	task.clear_ibuf [dreg:s8], $0x2FFFF;
	_ =	strace $0x9FFFFFFF  }
0xc4: {  	(tm) =	ssettm $0x7FFFFFFF  }
0xc5: {  	_ =	shalt  }
tec
execute0_lowered:
.L_overlay_start_1:
0x0: {  	(tag) =	ssettag $0x1  }
0x1: {  	s2 =	rddreg [dreg:$0x0]  }
0x2: {  	s4 =	rddreg [dreg:$0x1]  }
0x3: {  	s9 =	rddreg [dreg:$0x2];
	s1 =	simm.s32 $0x0  }
0x4: {  	s3 =	srdreg.scid;
	s0 =	stileid.u32;
	s12 =	simm.s32 $0x9  }
0x5: {  	s13 =	simm.s32 $0x7000;
	s14 =	simm.s32 $0x400;
	s15 =	simm.s32 $0xB000  }
0x6: {  	s16 =	simm.s32 $0x1;
	s17 =	simm.s32 $0x2;
	s18 =	simm.s32 $0x80  }
0x7: {  	s19 =	simm.s32 $0xF000;
	s20 =	simm.s32 $0x13000;
	s21 =	simm.s32 $0x3  }
0x8: {  	s22 =	simm.s32 $0x4;
	s23 =	simm.s32 $0x5;
	s24 =	simm.s32 $0x6  }
0x9: {  	s25 =	simm.s32 $0x7;
	s28 =	simm.s32 $0x0;
	[smem:$0x7FF] =	sst s1  }
0xa: {  	s5 =	sand.u32 $0x1, s3;
	s3 =	sadd.s32 $0xC00, s2;
	s8 =	sshll.u32 s0, $0x11  }
0xb: {  	s11 =	sshll.u32 s0, $0xA;
	_ =	strace $0x80000047;
	s6 =	ssub.s32 $0x2, s5  }
0xc: {  	s10 =	sshll.u32 s5, $0x10;
	s5 =	sshll.u32 s5, $0x9;
	s7 =	sshrl.u32 s6, $0x1  }
0xd: {  	s8 =	sor.u32 s10, s8;
	s5 =	sor.u32 s5, s11;
	s11 =	simm.s32 $0x20000  }
0xe: {  	s6 =	ssub.s32 s6, s7;
	s26 =	sor.u32 $0xC000, s8;
	s4 =	sadd.s32 s4, s5  }
0xf: {  	s30 =	sor.u32 $0x8000, s8;
	s10 =	sor.u32 $0x4000, s8;
	s31 =	sshrl.u32 s8, $0x3  }
0x10: {  	s5 =	smax.u32 s6, $0x1;
	s29 =	sshrl.u32 s26, $0x3;
	s7 =	sshrl.u32 s30, $0x3  }
0x11: {  	s10 =	sshrl.u32 s10, $0x3;
	s26 =	simm.s32 $0x8;
	s6 =	sadd.s32 s29, s9  }
0x12: {  	s7 =	sadd.s32 s7, s9;
	s8 =	sadd.s32 s10, s9;
	s9 =	sadd.s32 s31, s9  }
.LBB2_1:
0x13: {  	s0 =	simm.s32 $0x1000  }
0x14: {  	[tilespmem:s1], [sflag:$0x9] =	stream.strided.gather [hbm4b:s4+s0], $0x7000, s11, s0, $0x38;
	[tilespmem:$0x17000] =	vst v63  }
0x15: {  	_ =	swait.ge [sflag:s12], $0x7000  }
0x16: {  	[sflag:s12] =	ssyncset.done $0x0  }
0x17: {  	[sflag:s12] =	ssyncadd.s32 $0xFFFF9000  }
0x18: {  	[tilespmem:s13], [sflag:$0x1] =	stream.indirect.gather [hbm4b:s3+s18], $0x80, s1, s18, $0xb8;
	[tilespmem:$0x17000] =	vst v63  }
0x19: {  	s29 =	simm.s32 $0x200;
	s30 =	simm.s32 $0x80;
	s31 =	simm.s32 $0x0  }
0x1a: {  	[tilespmem:s15], [sflag:$0x2] =	stream.indirect.gather [hbm4b:s3+s18], $0x80, s14, s18, $0xb8;
	[tilespmem:$0x17000] =	vst v63  }
.LBB2_2:
0x1b: {  	_ =	swait.ge [sflag:s16], $0x4000  }
0x1c: {  	[sflag:s16] =	ssyncset.done $0x0  }
0x1d: {  	[sflag:s16] =	ssyncadd.s32 $0xFFFFC000  }
0x1e: {  	_ =	swait.ge [sflag:s17], $0x4000  }
0x1f: {  	[sflag:s17] =	ssyncset.done $0x0  }
0x20: {  	s0 =	sadd.s32 s31, s9;
	p0 =	seq.s32 s31, $0x0;
	[sflag:s17] =	ssyncadd.s32 $0xFFFFC000  }
0x21: {  	[hbm4b:s0+s1] =	stream.linear.scatter [tilespmem:s13], [sflag:$0x5], $0x4000, $0x38;
	[tilespmem:$0x17000] =	vst v63  }
0x22: {  	s2 =	sadd.s32 s31, s8;
	s0 =	simm.s32 @!p0 $0x7  }
0x23: {  	[hbm4b:s2+s1] =	stream.linear.scatter [tilespmem:s15], [sflag:$0x6], $0x4000, $0x38;
	[tilespmem:$0x17000] =	vst v63  }
0x24: {  	_ =	swait.ge @!p0 [sflag:s0], $0x4000  }
0x25: {  	s10 =	sadd.s32 $0xFFFFFF80, s30;
	[sflag:s0] =	ssyncset.done @!p0 $0x0  }
0x26: {  	s2 =	sadd.s32 $0xFFFFFE00, s29;
	[sflag:s0] =	ssyncadd.s32 @!p0 $0xFFFFC000;
	s0 =	simm.s32 @!p0 $0x8  }
0x27: {  	s10 =	sand.u32 $0x380, s10;
	s2 =	sand.u32 $0x7000, s2;
	_ =	swait.ge @!p0 [sflag:s0], $0x4000  }
0x28: {  	s2 =	sor.u32 s10, s2;
	[sflag:s0] =	ssyncset.done @!p0 $0x0  }
0x29: {  	s10 =	sor.u32 $0x800, s2;
	[sflag:s0] =	ssyncadd.s32 @!p0 $0xFFFFC000  }
0x2a: {  	[tilespmem:s19], [sflag:$0x3] =	stream.indirect.gather [hbm4b:s3+s18], $0x80, s10, s18, $0xb8;
	[tilespmem:$0x17000] =	vst v63  }
0x2b: {  	s10 =	sor.u32 $0xC00, s2  }
0x2c: {  	[tilespmem:s20], [sflag:$0x4] =	stream.indirect.gather [hbm4b:s3+s18], $0x80, s10, s18, $0xb8;
	[tilespmem:$0x17000] =	vst v63  }
0x2d: {  	_ =	swait.ge [sflag:s21], $0x4000  }
0x2e: {  	[sflag:s21] =	ssyncset.done $0x0  }
0x2f: {  	[sflag:s21] =	ssyncadd.s32 $0xFFFFC000  }
0x30: {  	_ =	swait.ge [sflag:s22], $0x4000  }
0x31: {  	[sflag:s22] =	ssyncset.done $0x0  }
0x32: {  	s2 =	sadd.s32 s31, s7;
	[sflag:s22] =	ssyncadd.s32 $0xFFFFC000  }
0x33: {  	[hbm4b:s2+s1] =	stream.linear.scatter [tilespmem:s19], [sflag:$0x7], $0x4000, $0x38;
	[tilespmem:$0x17000] =	vst v63  }
0x34: {  	s10 =	sadd.s32 s31, s6  }
0x35: {  	[hbm4b:s10+s1] =	stream.linear.scatter [tilespmem:s20], [sflag:$0x8], $0x4000, $0x38;
	[tilespmem:$0x17000] =	vst v63  }
0x36: {  	p0 =	seq.s32 s31, $0xC40000;
	_ =	swait.ge [sflag:s23], $0x4000  }
0x37: {  	s0 =	sand.u32 @!p0 $0xF000, s29;
	s31 =	sadd.s32 @!p0 $0x40000, s31;
	[sflag:s23] =	ssyncset.done $0x0  }
0x38: {  	s29 =	sadd.s32 @!p0 $0x200, s29;
	p1 =	sne.s32 @!p0 s31, $0xC80000;
	[sflag:s23] =	ssyncadd.s32 $0xFFFFC000  }
0x39: {  	p1 =	por p0, !p1;
	s2 =	sand.u32 @!p0 $0x380, s30;
	_ =	swait.ge [sflag:s24], $0x4000  }
.Ltmp0:
0x3a: {  	s0 =	sor.u32 @!p0 s2, s0;
	[sflag:s24] =	ssyncset.done $0x0;
	(pc) =	sbr.rel @!p1 .LBB2_2-.Ltmp0, $4  }
0x3b: {  	s2 =	simm.s32 @!p0 $0x80;
	s10 =	simm.s32 @!p0 $0x7000;
	[sflag:s24] =	ssyncadd.s32 $0xFFFFC000  }
0x3c: {  	[tilespmem:s10], [sflag:$0x1] =	stream.indirect.gather @!p0 [hbm4b:s3+s2], $0x80, s0, s2, $0xb8;
	[tilespmem:$0x17000] =	vst v63  }
0x3d: {  	s30 =	sadd.s32 @!p0 $0x80, s30;
	s0 =	sor.u32 @!p0 $0x400, s0;
	s10 =	simm.s32 @!p0 $0xB000  }
0x3e: {  	[tilespmem:s10], [sflag:$0x2] =	stream.indirect.gather @!p0 [hbm4b:s3+s2], $0x80, s0, s2, $0xb8;
	[tilespmem:$0x17000] =	vst v63  }
0x3f: {  	s28 =	sadd.s32 $0x1, s28  }
0x40: {  	_ =	swait.ge [sflag:s25], $0x4000;
	p0 =	sne.s32 s28, s5  }
.Ltmp1:
0x41: {  	[sflag:s25] =	ssyncset.done $0x0;
	(pc) =	sbr.rel @p0 .LBB2_1-.Ltmp1, $4  }
0x42: {  	[sflag:s25] =	ssyncadd.s32 $0xFFFFC000  }
0x43: {  	_ =	swait.ge [sflag:s26], $0x4000  }
0x44: {  	[sflag:s26] =	ssyncset.done $0x0  }
0x45: {  	[sflag:s26] =	ssyncadd.s32 $0xFFFFC000  }
0x46: {  	_ =	sfence.sel $0x180000  }
0x47: {  	[bflag:$0x0] =	sbarrier.arrive $0xFFFF  }
0x48: {  	_ =	strace $0x90000047  }
0x49: {  	s0 =	stileid.u32;
	[bflag:$0x2] =	sbarrier.arrive $0xFFFF  }
0x4a: {  	p0 =	sne.s32 s0, $0x0;
	s0 =	rddreg [dreg:$0x3]  }
0x4b: {  	s0 =	sadd.s32 @!p0 $0x100000, s0  }
0x4c: {  	[sflag:s0] =	ssyncadd.tile.s32 @!p0 $0x1;
	_ =	shalt  }
.Lfunc_end2:
_tile_overlayer_lowered:
.L_overlay_start_2:
0x4d: {  	(tag) =	ssettag $0x2  }
0x4e: {  	s0 =	rddreg [dreg:$0x0];
	s2 =	stileid.u32  }
0x4f: {  	s1 =	rddreg [dreg:$0x1];
	p0 =	sne.s32 s2, $0x0  }
0x50: {  	s3 =	rddreg [dreg:$0x2];
	[bflag:$0x3] =	sbarrier.arrive $0xFFFF;
	s2 =	simm.s32 @!p0 $0x1C09  }
0x51: {  	[timem:s3], [sflag:s2] =	dma.local @!p0 [hbm:s0], s1  }
0x52: {  	s0 =	simm.s32 @!p0 $0x9  }
0x53: {  	_ =	swait.ge @!p0 [sflag:s0], s1  }
0x54: {  	s1 =	ssub.s32 @!p0 $0x0, s1;
	[sflag:s0] =	ssyncset.done @!p0 $0x0  }
0x55: {  	[sflag:s0] =	ssyncadd.s32 @!p0 s1  }
0x56: {  	[bflag:$0x3] =	sbarrier.arrive $0xFFFF  }
0x57: {  	_ =	shalt  }

</sc_bundles>
